<compile_context>
chip_gen: v7x
topology: tpu7x:2x2x1
jax: 0.10.2.dev20260603
libtpu: 0.0.44.dev20260713+nightly
codegen_flags: <defaults>
</compile_context>

<pallas_src>
import functools

import jax
import jax.numpy as jnp
from jax import lax
from jax.experimental import pallas as pl
from jax.experimental.pallas import tpu as pltpu
from jax.experimental.pallas import tpu_sc as plsc

N_NODES = 10000
N_EDGES = 320000
D_FEAT = 128
N_CHANNELS = 128

NC = 2
NS = 16
NW = NC * NS
EDGES_PER_TILE = N_EDGES // NW
BATCH = 128
NB_FULL = EDGES_PER_TILE // BATCH
REM = EDGES_PER_TILE - NB_FULL * BATCH
N_PAD = 10240
ROWS_PER_TILE = N_PAD // NS
ZCHUNK = 128

_SELU_SCALE = 1.0507009873554805
_SELU_ALPHA = 1.6732632423543772



def _proj_body(x_ref, w_ref, sw_ref, o_ref):
    o_ref[...] = (
        jnp.dot(x_ref[...], w_ref[...], preferred_element_type=jnp.float32)
        * sw_ref[...]
    )


def _project(features, kernel_w, skip_weight):
    blk = 2000
    grid = (N_NODES // blk,)
    return pl.pallas_call(
        _proj_body,
        grid=grid,
        in_specs=[
            pl.BlockSpec((blk, D_FEAT), lambda i: (i, 0)),
            pl.BlockSpec((D_FEAT, N_CHANNELS), lambda i: (0, 0)),
            pl.BlockSpec((1, N_CHANNELS), lambda i: (0, 0)),
        ],
        out_specs=pl.BlockSpec((blk, N_CHANNELS), lambda i: (i, 0)),
        out_shape=jax.ShapeDtypeStruct((N_NODES, N_CHANNELS), jnp.float32),
    )(features, kernel_w, skip_weight.reshape(1, N_CHANNELS))



def _sc_body(h_hbm, row_hbm, col_hbm, out_hbm, acc_shared,
             row_all, cidx0, cidx1, rows0, rows1,
             gsem0, gsem1, ssem0, ssem1, cisem0, cisem1, risem,
             zsem):
    cid = lax.axis_index("c")
    sid = lax.axis_index("s")
    wid = sid * NC + cid
    edge_base = wid * EDGES_PER_TILE
    r0 = sid * ROWS_PER_TILE

    pltpu.async_copy(
        row_hbm.at[pl.ds(edge_base, EDGES_PER_TILE)], row_all, risem)

    rows = (rows0, rows1)
    cidx = (cidx0, cidx1)
    gsems = (gsem0, gsem1)
    ssems = (ssem0, ssem1)
    cisems = (cisem0, cisem1)

    def cistart(k, p, n=BATCH):
        pltpu.async_copy(
            col_hbm.at[pl.ds(edge_base + k * BATCH, n)],
            cidx[p].at[pl.ds(0, n)], cisems[p])

    def ciwait(k, p, n=BATCH):
        pltpu.make_async_copy(
            col_hbm.at[pl.ds(edge_base + k * BATCH, n)],
            cidx[p].at[pl.ds(0, n)], cisems[p]).wait()

    def gstart(k, p, n=BATCH):
        pltpu.async_copy(
            h_hbm.at[cidx[p].at[pl.ds(0, n)]],
            rows[p].at[pl.ds(0, n)],
            gsems[p],
        )

    def gwait(k, p, n=BATCH):
        pltpu.make_async_copy(
            h_hbm.at[cidx[p].at[pl.ds(0, n)]],
            rows[p].at[pl.ds(0, n)],
            gsems[p],
        ).wait()

    def sstart(k, p, n=BATCH):
        pltpu.async_copy(
            rows[p].at[pl.ds(0, n)],
            acc_shared.at[row_all.at[pl.ds(k * BATCH, n)]],
            ssems[p],
            add=True,
        )

    def swait(k, p, n=BATCH):
        pltpu.make_async_copy(
            rows[p].at[pl.ds(0, n)],
            acc_shared.at[row_all.at[pl.ds(k * BATCH, n)]],
            ssems[p],
        ).wait()

    cistart(0, 0)
    cistart(1, 1)

    zero16 = jnp.zeros((16,), jnp.float32)

    @pl.loop(0, ZCHUNK)
    def _zero_rows(i):
        for j in range(N_CHANNELS // 16):
            rows1[i, pl.ds(j * 16, 16)] = zero16

    ciwait(0, 0)
    gstart(0, 0)

    for q in range(ROWS_PER_TILE // ZCHUNK):
        pltpu.async_copy(
            rows1.at[pl.ds(0, ZCHUNK)],
            acc_shared.at[pl.ds(r0 + q * ZCHUNK, ZCHUNK)],
            zsem,
        )
    for q in range(ROWS_PER_TILE // ZCHUNK):
        pltpu.make_async_copy(
            rows1.at[pl.ds(0, ZCHUNK)],
            acc_shared.at[pl.ds(r0 + q * ZCHUNK, ZCHUNK)],
            zsem,
        ).wait()
    pltpu.make_async_copy(
        row_hbm.at[pl.ds(edge_base, EDGES_PER_TILE)], row_all, risem).wait()
    plsc.subcore_barrier()

    ciwait(1, 1)
    gstart(1, 1)
    gwait(0, 0)
    cistart(2, 0)
    sstart(0, 0)

    swait(0, 0)
    ciwait(2, 0)
    gstart(2, 0)
    gwait(1, 1)
    cistart(3, 1)
    sstart(1, 1)

    @pl.loop(2, NB_FULL - 2, step=2)
    def _edges(k):
        for b in range(2):
            kk = k + b
            p = b
            q = 1 - b
            swait(kk - 1, q)
            ciwait(kk + 1, q)
            gstart(kk + 1, q)
            gwait(kk, p)
            cistart(kk + 2, p)
            sstart(kk, p)

    swait(75, 1)
    ciwait(77, 1)
    gstart(77, 1)
    gwait(76, 0)
    cistart(78, 0, REM)
    sstart(76, 0)

    swait(76, 0)
    ciwait(78, 0, REM)
    gstart(78, 0, REM)
    gwait(77, 1)
    sstart(77, 1)

    gwait(78, 0, REM)
    sstart(78, 0, REM)
    swait(77, 1)
    swait(78, 0, REM)

    plsc.subcore_barrier()

    pltpu.sync_copy(
        acc_shared.at[pl.ds(r0, ROWS_PER_TILE)],
        out_hbm.at[cid, pl.ds(r0, ROWS_PER_TILE)],
    )


def _aggregate(h, row, col):
    mesh = plsc.VectorSubcoreMesh(core_axis_name="c", subcore_axis_name="s")
    kern = functools.partial(
        pl.kernel,
        out_type=jax.ShapeDtypeStruct((NC, N_PAD, N_CHANNELS), jnp.float32),
        mesh=mesh,
        scratch_types=[
            pltpu.VMEM_SHARED((N_PAD, N_CHANNELS), jnp.float32),
            pltpu.VMEM((EDGES_PER_TILE,), jnp.int32),
            pltpu.VMEM((BATCH,), jnp.int32),
            pltpu.VMEM((BATCH,), jnp.int32),
            pltpu.VMEM((BATCH, N_CHANNELS), jnp.float32),
            pltpu.VMEM((BATCH, N_CHANNELS), jnp.float32),
            pltpu.SemaphoreType.DMA,
            pltpu.SemaphoreType.DMA,
            pltpu.SemaphoreType.DMA,
            pltpu.SemaphoreType.DMA,
            pltpu.SemaphoreType.DMA,
            pltpu.SemaphoreType.DMA,
            pltpu.SemaphoreType.DMA,
            pltpu.SemaphoreType.DMA,
        ],
    )(_sc_body)
    return kern(h, row, col)



def _final_body(h_ref, a0_ref, a1_ref, b_ref, o_ref):
    x = h_ref[...] + a0_ref[...] + a1_ref[...] + b_ref[...]
    o_ref[...] = _SELU_SCALE * jnp.where(
        x > 0, x, _SELU_ALPHA * (jnp.exp(x) - 1.0)
    )


def _finalize(h, agg, bias):
    blk = 2000
    grid = (N_NODES // blk,)
    spec = pl.BlockSpec((blk, N_CHANNELS), lambda i: (i, 0))
    return pl.pallas_call(
        _final_body,
        grid=grid,
        in_specs=[
            spec,
            spec,
            spec,
            pl.BlockSpec((1, N_CHANNELS), lambda i: (0, 0)),
        ],
        out_specs=spec,
        out_shape=jax.ShapeDtypeStruct((N_NODES, N_CHANNELS), jnp.float32),
    )(h, agg[0], agg[1], bias.reshape(1, N_CHANNELS))


def kernel(features, edge_index, kernel, bias, skip_weight):
    h = _project(features, kernel, skip_weight)
    row = edge_index[0]
    col = edge_index[1]
    agg = _aggregate(h, row, col)
    return _finalize(h, agg, bias)

# --- scband reference (transcript-rebuilt; emitter-appended) ---
"""Pipeline reference for scband-gcn-11562051960848 (READ-ONLY COPY).

The authoritative reference and input builder live on the scoring server;
editing this copy changes nothing except your own understanding.
"""

import jax, jax.numpy as jnp
import numpy as np

N_NODES = 10000
N_EDGES = 320000
D_FEAT = 128
N_CHANNELS = 128


def setup_inputs(seed: int = 0) -> dict:
    key = jax.random.key(seed)
    k1, k2, k3 = jax.random.split(key, 3)
    features = jax.random.normal(k1, (N_NODES, D_FEAT), dtype=jnp.float32)
    edge_index = jax.random.randint(k2, (2, N_EDGES), 0, N_NODES, dtype=jnp.int64 if jax.config.jax_enable_x64 else jnp.int32).astype(jnp.int32)
    # xavier_uniform init for kernel [D_FEAT, N_CHANNELS]
    limit = float(np.sqrt(6.0 / (D_FEAT + N_CHANNELS)))
    kernel = jax.random.uniform(k3, (D_FEAT, N_CHANNELS), dtype=jnp.float32, minval=-limit, maxval=limit)
    bias = jnp.zeros((N_CHANNELS,), dtype=jnp.float32)
    skip_weight = jnp.ones((N_CHANNELS,), dtype=jnp.float32)
    return {"features": features, "edge_index": edge_index, "kernel": kernel, "bias": bias, "skip_weight": skip_weight}


def reference(features, edge_index, kernel, bias, skip_weight):
    # output = features @ kernel  (dense projection)
    output = jnp.matmul(features, kernel)
    # skip_connection: elementwise scale by skip_weight
    output = output * skip_weight
    # sparse_dense_mm(graph, output): unweighted COO adjacency A[row, col] = 1.0
    # (A @ output)[i] = sum over edges (i, j) of output[j]
    row = edge_index[0]
    col = edge_index[1]
    agg = jax.ops.segment_sum(jnp.take(output, col, axis=0), row, num_segments=output.shape[0])
    output = output + agg
    output = output + bias
    return jax.nn.selu(output)

if __name__ == "__main__":
    import jax
    _d = setup_inputs()
    print(jax.jit(kernel)(*tuple(_d.values())))

</pallas_src>

<mosaic_0001>
#map = affine_map<(d0, d1) -> (0, 0)>
#map1 = affine_map<(d0, d1) -> (0)>
#map2 = affine_map<(d0, d1) -> (0, 0, 0)>
module attributes {stable_mosaic.version = 14 : i64} {
  func.func @_sc_body(%arg0: i32, %arg1: i32, %arg2: memref<10000x128xf32, #tpu.memory_space<hbm>>, %arg3: memref<320000xi32, #tpu.memory_space<hbm>>, %arg4: memref<320000xi32, #tpu.memory_space<hbm>>, %arg5: memref<2x10240x128xf32, #tpu.memory_space<hbm>>, %arg6: memref<10240x128xf32, #tpu.memory_space<vmem_shared>>, %arg7: memref<10000xi32, #tpu.memory_space<vmem>>, %arg8: memref<128xi32, #tpu.memory_space<vmem>>, %arg9: memref<128xi32, #tpu.memory_space<vmem>>, %arg10: memref<128x128xf32, #tpu.memory_space<vmem>>, %arg11: memref<128x128xf32, #tpu.memory_space<vmem>>, %arg12: memref<!tpu.dma_semaphore, #tpu.memory_space<semaphore_mem>>, %arg13: memref<!tpu.dma_semaphore, #tpu.memory_space<semaphore_mem>>, %arg14: memref<!tpu.dma_semaphore, #tpu.memory_space<semaphore_mem>>, %arg15: memref<!tpu.dma_semaphore, #tpu.memory_space<semaphore_mem>>, %arg16: memref<!tpu.dma_semaphore, #tpu.memory_space<semaphore_mem>>, %arg17: memref<!tpu.dma_semaphore, #tpu.memory_space<semaphore_mem>>, %arg18: memref<!tpu.dma_semaphore, #tpu.memory_space<semaphore_mem>>, %arg19: memref<!tpu.dma_semaphore, #tpu.memory_space<semaphore_mem>>) attributes {dimension_semantics = [#tpu.dimension_semantics<core_parallel>, #tpu.dimension_semantics<subcore_parallel>], iteration_bounds = array<i64: 2, 16>, scalar_prefetch = 0 : i64, scratch_operands = 14 : i64, tpu.core_type = #tpu.core_type<sc_vector_subcore>, window_params = [{transform_indices = #map}, {transform_indices = #map1}, {transform_indices = #map1}, {transform_indices = #map2}]} {
    %mul3A = arith.constant 2 : i32
    %mul3A_0 = arith.muli %arg1, %mul3A : i32
    %add3A = arith.addi %mul3A_0, %arg0 : i32
    %mul3A_1 = arith.constant 10000 : i32
    %mul3A_2 = arith.muli %add3A, %mul3A_1 : i32
    %mul3A_3 = arith.constant 640 : i32
    %mul3A_4 = arith.muli %arg1, %mul3A_3 : i32
    %dma_start3A = tpu.memref_slice %arg3[%mul3A_2] : memref<320000xi32, #tpu.memory_space<hbm>> -> memref<10000xi32, #tpu.memory_space<hbm>>
    %dma_start3A_5 = tpu.memref_slice %arg3[%mul3A_2] : memref<320000xi32, #tpu.memory_space<hbm>> -> memref<10000xi32, #tpu.memory_space<hbm>>
    tpu.enqueue_dma source(%dma_start3A_5 : memref<10000xi32, #tpu.memory_space<hbm>>) target(%arg7 : memref<10000xi32, #tpu.memory_space<vmem>>) target_semaphore(%arg18 : memref<!tpu.dma_semaphore, #tpu.memory_space<semaphore_mem>>)
    %add3A_6 = arith.constant 0 : i32
    %add3A_7 = arith.addi %mul3A_2, %add3A_6 : i32
    %dma_start3A_8 = arith.constant 0 : i32
    %dma_start3A_9 = tpu.memref_slice %arg8[%dma_start3A_8] : memref<128xi32, #tpu.memory_space<vmem>> -> memref<128xi32, #tpu.memory_space<vmem>>
    %dma_start3A_10 = tpu.memref_slice %arg4[%add3A_7] : memref<320000xi32, #tpu.memory_space<hbm>> -> memref<128xi32, #tpu.memory_space<hbm>>
    %dma_start3A_11 = arith.constant 0 : i32
    %dma_start3A_12 = tpu.memref_slice %arg8[%dma_start3A_11] : memref<128xi32, #tpu.memory_space<vmem>> -> memref<128xi32, #tpu.memory_space<vmem>>
    %dma_start3A_13 = tpu.memref_slice %arg4[%add3A_7] : memref<320000xi32, #tpu.memory_space<hbm>> -> memref<128xi32, #tpu.memory_space<hbm>>
    tpu.enqueue_dma source(%dma_start3A_13 : memref<128xi32, #tpu.memory_space<hbm>>) target(%dma_start3A_12 : memref<128xi32, #tpu.memory_space<vmem>>) target_semaphore(%arg16 : memref<!tpu.dma_semaphore, #tpu.memory_space<semaphore_mem>>)
    %add3A_14 = arith.constant 128 : i32
    %add3A_15 = arith.addi %mul3A_2, %add3A_14 : i32
    %dma_start3A_16 = arith.constant 0 : i32
    %dma_start3A_17 = tpu.memref_slice %arg9[%dma_start3A_16] : memref<128xi32, #tpu.memory_space<vmem>> -> memref<128xi32, #tpu.memory_space<vmem>>
    %dma_start3A_18 = tpu.memref_slice %arg4[%add3A_15] : memref<320000xi32, #tpu.memory_space<hbm>> -> memref<128xi32, #tpu.memory_space<hbm>>
    %dma_start3A_19 = arith.constant 0 : i32
    %dma_start3A_20 = tpu.memref_slice %arg9[%dma_start3A_19] : memref<128xi32, #tpu.memory_space<vmem>> -> memref<128xi32, #tpu.memory_space<vmem>>
    %dma_start3A_21 = tpu.memref_slice %arg4[%add3A_15] : memref<320000xi32, #tpu.memory_space<hbm>> -> memref<128xi32, #tpu.memory_space<hbm>>
    tpu.enqueue_dma source(%dma_start3A_21 : memref<128xi32, #tpu.memory_space<hbm>>) target(%dma_start3A_20 : memref<128xi32, #tpu.memory_space<vmem>>) target_semaphore(%arg17 : memref<!tpu.dma_semaphore, #tpu.memory_space<semaphore_mem>>)
    %broadcast_in_dim3A = arith.constant 0.000000e+00 : f32
    %broadcast_in_dim3A_22 = vector.broadcast %broadcast_in_dim3A : f32 to vector<16xf32>
    %scan3A = arith.constant 0 : i32
    %scan3A_23 = arith.constant 128 : i32
    %scan3A_24 = arith.addi %scan3A, %scan3A_23 : i32
    %scan3A_25 = arith.constant 1 : i32
    scf.for %scan3A_378 = %scan3A to %scan3A_24 step %scan3A_25  : i32 {
      %mul3A_379 = arith.constant 1 : i32
      %mul3A_380 = arith.muli %scan3A_378, %mul3A_379 : i32
      %add3A_381 = arith.constant 0 : i32
      %add3A_382 = arith.addi %add3A_381, %mul3A_380 : i32
      %swap3A = arith.index_cast %add3A_382 : i32 to index
      %swap3A_383 = arith.constant 0 : index
      %swap3A_384 = tpu.vector_load %arg11[%swap3A, %swap3A_383] {strides = array<i32>} : memref<128x128xf32, #tpu.memory_space<vmem>>, vector<1x16xf32>,
      %swap3A_385 = vector.shape_cast %swap3A_384 : vector<1x16xf32> to vector<16xf32>
      %swap3A_386 = vector.shape_cast %broadcast_in_dim3A_22 : vector<16xf32> to vector<1x16xf32>
      tpu.vector_store %arg11[%swap3A, %swap3A_383], %swap3A_386 {strides = array<i32>} : memref<128x128xf32, #tpu.memory_space<vmem>>, vector<1x16xf32>,
      %swap3A_387 = arith.index_cast %add3A_382 : i32 to index
      %swap3A_388 = arith.constant 16 : index
      %swap3A_389 = tpu.vector_load %arg11[%swap3A_387, %swap3A_388] {strides = array<i32>} : memref<128x128xf32, #tpu.memory_space<vmem>>, vector<1x16xf32>,
      %swap3A_390 = vector.shape_cast %swap3A_389 : vector<1x16xf32> to vector<16xf32>
      %swap3A_391 = vector.shape_cast %broadcast_in_dim3A_22 : vector<16xf32> to vector<1x16xf32>
      tpu.vector_store %arg11[%swap3A_387, %swap3A_388], %swap3A_391 {strides = array<i32>} : memref<128x128xf32, #tpu.memory_space<vmem>>, vector<1x16xf32>,
      %swap3A_392 = arith.index_cast %add3A_382 : i32 to index
      %swap3A_393 = arith.constant 32 : index
      %swap3A_394 = tpu.vector_load %arg11[%swap3A_392, %swap3A_393] {strides = array<i32>} : memref<128x128xf32, #tpu.memory_space<vmem>>, vector<1x16xf32>,
      %swap3A_395 = vector.shape_cast %swap3A_394 : vector<1x16xf32> to vector<16xf32>
      %swap3A_396 = vector.shape_cast %broadcast_in_dim3A_22 : vector<16xf32> to vector<1x16xf32>
      tpu.vector_store %arg11[%swap3A_392, %swap3A_393], %swap3A_396 {strides = array<i32>} : memref<128x128xf32, #tpu.memory_space<vmem>>, vector<1x16xf32>,
      %swap3A_397 = arith.index_cast %add3A_382 : i32 to index
      %swap3A_398 = arith.constant 48 : index
      %swap3A_399 = tpu.vector_load %arg11[%swap3A_397, %swap3A_398] {strides = array<i32>} : memref<128x128xf32, #tpu.memory_space<vmem>>, vector<1x16xf32>,
      %swap3A_400 = vector.shape_cast %swap3A_399 : vector<1x16xf32> to vector<16xf32>
      %swap3A_401 = vector.shape_cast %broadcast_in_dim3A_22 : vector<16xf32> to vector<1x16xf32>
      tpu.vector_store %arg11[%swap3A_397, %swap3A_398], %swap3A_401 {strides = array<i32>} : memref<128x128xf32, #tpu.memory_space<vmem>>, vector<1x16xf32>,
      %swap3A_402 = arith.index_cast %add3A_382 : i32 to index
      %swap3A_403 = arith.constant 64 : index
      %swap3A_404 = tpu.vector_load %arg11[%swap3A_402, %swap3A_403] {strides = array<i32>} : memref<128x128xf32, #tpu.memory_space<vmem>>, vector<1x16xf32>,
      %swap3A_405 = vector.shape_cast %swap3A_404 : vector<1x16xf32> to vector<16xf32>
      %swap3A_406 = vector.shape_cast %broadcast_in_dim3A_22 : vector<16xf32> to vector<1x16xf32>
      tpu.vector_store %arg11[%swap3A_402, %swap3A_403], %swap3A_406 {strides = array<i32>} : memref<128x128xf32, #tpu.memory_space<vmem>>, vector<1x16xf32>,
      %swap3A_407 = arith.index_cast %add3A_382 : i32 to index
      %swap3A_408 = arith.constant 80 : index
      %swap3A_409 = tpu.vector_load %arg11[%swap3A_407, %swap3A_408] {strides = array<i32>} : memref<128x128xf32, #tpu.memory_space<vmem>>, vector<1x16xf32>,
      %swap3A_410 = vector.shape_cast %swap3A_409 : vector<1x16xf32> to vector<16xf32>
      %swap3A_411 = vector.shape_cast %broadcast_in_dim3A_22 : vector<16xf32> to vector<1x16xf32>
      tpu.vector_store %arg11[%swap3A_407, %swap3A_408], %swap3A_411 {strides = array<i32>} : memref<128x128xf32, #tpu.memory_space<vmem>>, vector<1x16xf32>,
      %swap3A_412 = arith.index_cast %add3A_382 : i32 to index
      %swap3A_413 = arith.constant 96 : index
      %swap3A_414 = tpu.vector_load %arg11[%swap3A_412, %swap3A_413] {strides = array<i32>} : memref<128x128xf32, #tpu.memory_space<vmem>>, vector<1x16xf32>,
      %swap3A_415 = vector.shape_cast %swap3A_414 : vector<1x16xf32> to vector<16xf32>
      %swap3A_416 = vector.shape_cast %broadcast_in_dim3A_22 : vector<16xf32> to vector<1x16xf32>
      tpu.vector_store %arg11[%swap3A_412, %swap3A_413], %swap3A_416 {strides = array<i32>} : memref<128x128xf32, #tpu.memory_space<vmem>>, vector<1x16xf32>,
      %swap3A_417 = arith.index_cast %add3A_382 : i32 to index
      %swap3A_418 = arith.constant 112 : index
      %swap3A_419 = tpu.vector_load %arg11[%swap3A_417, %swap3A_418] {strides = array<i32>} : memref<128x128xf32, #tpu.memory_space<vmem>>, vector<1x16xf32>,
      %swap3A_420 = vector.shape_cast %swap3A_419 : vector<1x16xf32> to vector<16xf32>
      %swap3A_421 = vector.shape_cast %broadcast_in_dim3A_22 : vector<16xf32> to vector<1x16xf32>
      tpu.vector_store %arg11[%swap3A_417, %swap3A_418], %swap3A_421 {strides = array<i32>} : memref<128x128xf32, #tpu.memory_space<vmem>>, vector<1x16xf32>,
    }
    %scan3A_26 = arith.constant 128 : i32
    %add3A_27 = arith.constant 0 : i32
    %add3A_28 = arith.addi %mul3A_2, %add3A_27 : i32
    %dma_wait3A = arith.constant 0 : i32
    %dma_wait3A_29 = tpu.memref_slice %arg8[%dma_wait3A] : memref<128xi32, #tpu.memory_space<vmem>> -> memref<128xi32, #tpu.memory_space<vmem>>
    %dma_wait3A_30 = tpu.memref_slice %arg4[%add3A_28] : memref<320000xi32, #tpu.memory_space<hbm>> -> memref<128xi32, #tpu.memory_space<hbm>>
    %dma_wait3A_31 = arith.constant 0 : i32
    %dma_wait3A_32 = tpu.memref_slice %arg8[%dma_wait3A_31] : memref<128xi32, #tpu.memory_space<vmem>> -> memref<128xi32, #tpu.memory_space<vmem>>
    %dma_wait3A_33 = tpu.memref_slice %arg4[%add3A_28] : memref<320000xi32, #tpu.memory_space<hbm>> -> memref<128xi32, #tpu.memory_space<hbm>>
    tpu.wait_dma2 semaphore(%arg16 : memref<!tpu.dma_semaphore, #tpu.memory_space<semaphore_mem>>) src(%dma_wait3A_33 : memref<128xi32, #tpu.memory_space<hbm>>) dst(%dma_wait3A_32 : memref<128xi32, #tpu.memory_space<vmem>>)
    %dma_start3A_34 = arith.constant 0 : i32
    %dma_start3A_35 = arith.constant 0 : i32
    %dma_start3A_36 = tpu.memref_slice %arg10[%dma_start3A_34, %dma_start3A_35] : memref<128x128xf32, #tpu.memory_space<vmem>> -> memref<128x128xf32, #tpu.memory_space<vmem>>
    %dma_start3A_37 = arith.constant 0 : i32
    %dma_start3A_38 = tpu.memref_slice %arg8[%dma_start3A_37] : memref<128xi32, #tpu.memory_space<vmem>> -> memref<128xi32, #tpu.memory_space<vmem>>
    %dma_start3A_39 = arith.constant 0 : i32
    %dma_start3A_40 = arith.constant 0 : i32
    %dma_start3A_41 = tpu.memref_slice %arg2[%dma_start3A_39, %dma_start3A_40] : memref<10000x128xf32, #tpu.memory_space<hbm>> -> memref<10000x128xf32, #tpu.memory_space<hbm>>
    tpu.enqueue_indirect_dma source(%dma_start3A_41 : memref<10000x128xf32, #tpu.memory_space<hbm>>) target(%dma_start3A_36 : memref<128x128xf32, #tpu.memory_space<vmem>>) offsets(%dma_start3A_38 : memref<128xi32, #tpu.memory_space<vmem>>) semaphore(%arg12 : memref<!tpu.dma_semaphore, #tpu.memory_space<semaphore_mem>>)
    %add3A_42 = arith.constant 0 : i32
    %add3A_43 = arith.addi %mul3A_4, %add3A_42 : i32
    %dma_start3A_44 = arith.constant 0 : i32
    %dma_start3A_45 = arith.constant 0 : i32
    %dma_start3A_46 = tpu.memref_slice %arg11[%dma_start3A_44, %dma_start3A_45] : memref<128x128xf32, #tpu.memory_space<vmem>> -> memref<128x128xf32, #tpu.memory_space<vmem>>
    %dma_start3A_47 = arith.constant 0 : i32
    %dma_start3A_48 = tpu.memref_slice %arg6[%add3A_43, %dma_start3A_47] : memref<10240x128xf32, #tpu.memory_space<vmem_shared>> -> memref<128x128xf32, #tpu.memory_space<vmem_shared>>
    %dma_start3A_49 = arith.constant 0 : i32
    %dma_start3A_50 = tpu.memref_slice %arg6[%add3A_43, %dma_start3A_49] : memref<10240x128xf32, #tpu.memory_space<vmem_shared>> -> memref<128x128xf32, #tpu.memory_space<vmem_shared>>
    %dma_start3A_51 = arith.constant 0 : i32
    %dma_start3A_52 = arith.constant 0 : i32
    %dma_start3A_53 = tpu.memref_slice %arg11[%dma_start3A_51, %dma_start3A_52] : memref<128x128xf32, #tpu.memory_space<vmem>> -> memref<128x128xf32, #tpu.memory_space<vmem>>
    tpu.enqueue_dma source(%dma_start3A_53 : memref<128x128xf32, #tpu.memory_space<vmem>>) target(%dma_start3A_50 : memref<128x128xf32, #tpu.memory_space<vmem_shared>>) target_semaphore(%arg19 : memref<!tpu.dma_semaphore, #tpu.memory_space<semaphore_mem>>)
    %add3A_54 = arith.constant 128 : i32
    %add3A_55 = arith.addi %mul3A_4, %add3A_54 : i32
    %dma_start3A_56 = arith.constant 0 : i32
    %dma_start3A_57 = arith.constant 0 : i32
    %dma_start3A_58 = tpu.memref_slice %arg11[%dma_start3A_56, %dma_start3A_57] : memref<128x128xf32, #tpu.memory_space<vmem>> -> memref<128x128xf32, #tpu.memory_space<vmem>>
    %dma_start3A_59 = arith.constant 0 : i32
    %dma_start3A_60 = tpu.memref_slice %arg6[%add3A_55, %dma_start3A_59] : memref<10240x128xf32, #tpu.memory_space<vmem_shared>> -> memref<128x128xf32, #tpu.memory_space<vmem_shared>>
    %dma_start3A_61 = arith.constant 0 : i32
    %dma_start3A_62 = tpu.memref_slice %arg6[%add3A_55, %dma_start3A_61] : memref<10240x128xf32, #tpu.memory_space<vmem_shared>> -> memref<128x128xf32, #tpu.memory_space<vmem_shared>>
    %dma_start3A_63 = arith.constant 0 : i32
    %dma_start3A_64 = arith.constant 0 : i32
    %dma_start3A_65 = tpu.memref_slice %arg11[%dma_start3A_63, %dma_start3A_64] : memref<128x128xf32, #tpu.memory_space<vmem>> -> memref<128x128xf32, #tpu.memory_space<vmem>>
    tpu.enqueue_dma source(%dma_start3A_65 : memref<128x128xf32, #tpu.memory_space<vmem>>) target(%dma_start3A_62 : memref<128x128xf32, #tpu.memory_space<vmem_shared>>) target_semaphore(%arg19 : memref<!tpu.dma_semaphore, #tpu.memory_space<semaphore_mem>>)
    %add3A_66 = arith.constant 256 : i32
    %add3A_67 = arith.addi %mul3A_4, %add3A_66 : i32
    %dma_start3A_68 = arith.constant 0 : i32
    %dma_start3A_69 = arith.constant 0 : i32
    %dma_start3A_70 = tpu.memref_slice %arg11[%dma_start3A_68, %dma_start3A_69] : memref<128x128xf32, #tpu.memory_space<vmem>> -> memref<128x128xf32, #tpu.memory_space<vmem>>
    %dma_start3A_71 = arith.constant 0 : i32
    %dma_start3A_72 = tpu.memref_slice %arg6[%add3A_67, %dma_start3A_71] : memref<10240x128xf32, #tpu.memory_space<vmem_shared>> -> memref<128x128xf32, #tpu.memory_space<vmem_shared>>
    %dma_start3A_73 = arith.constant 0 : i32
    %dma_start3A_74 = tpu.memref_slice %arg6[%add3A_67, %dma_start3A_73] : memref<10240x128xf32, #tpu.memory_space<vmem_shared>> -> memref<128x128xf32, #tpu.memory_space<vmem_shared>>
    %dma_start3A_75 = arith.constant 0 : i32
    %dma_start3A_76 = arith.constant 0 : i32
    %dma_start3A_77 = tpu.memref_slice %arg11[%dma_start3A_75, %dma_start3A_76] : memref<128x128xf32, #tpu.memory_space<vmem>> -> memref<128x128xf32, #tpu.memory_space<vmem>>
    tpu.enqueue_dma source(%dma_start3A_77 : memref<128x128xf32, #tpu.memory_space<vmem>>) target(%dma_start3A_74 : memref<128x128xf32, #tpu.memory_space<vmem_shared>>) target_semaphore(%arg19 : memref<!tpu.dma_semaphore, #tpu.memory_space<semaphore_mem>>)
    %add3A_78 = arith.constant 384 : i32
    %add3A_79 = arith.addi %mul3A_4, %add3A_78 : i32
    %dma_start3A_80 = arith.constant 0 : i32
    %dma_start3A_81 = arith.constant 0 : i32
    %dma_start3A_82 = tpu.memref_slice %arg11[%dma_start3A_80, %dma_start3A_81] : memref<128x128xf32, #tpu.memory_space<vmem>> -> memref<128x128xf32, #tpu.memory_space<vmem>>
    %dma_start3A_83 = arith.constant 0 : i32
    %dma_start3A_84 = tpu.memref_slice %arg6[%add3A_79, %dma_start3A_83] : memref<10240x128xf32, #tpu.memory_space<vmem_shared>> -> memref<128x128xf32, #tpu.memory_space<vmem_shared>>
    %dma_start3A_85 = arith.constant 0 : i32
    %dma_start3A_86 = tpu.memref_slice %arg6[%add3A_79, %dma_start3A_85] : memref<10240x128xf32, #tpu.memory_space<vmem_shared>> -> memref<128x128xf32, #tpu.memory_space<vmem_shared>>
    %dma_start3A_87 = arith.constant 0 : i32
    %dma_start3A_88 = arith.constant 0 : i32
    %dma_start3A_89 = tpu.memref_slice %arg11[%dma_start3A_87, %dma_start3A_88] : memref<128x128xf32, #tpu.memory_space<vmem>> -> memref<128x128xf32, #tpu.memory_space<vmem>>
    tpu.enqueue_dma source(%dma_start3A_89 : memref<128x128xf32, #tpu.memory_space<vmem>>) target(%dma_start3A_86 : memref<128x128xf32, #tpu.memory_space<vmem_shared>>) target_semaphore(%arg19 : memref<!tpu.dma_semaphore, #tpu.memory_space<semaphore_mem>>)
    %add3A_90 = arith.constant 512 : i32
    %add3A_91 = arith.addi %mul3A_4, %add3A_90 : i32
    %dma_start3A_92 = arith.constant 0 : i32
    %dma_start3A_93 = arith.constant 0 : i32
    %dma_start3A_94 = tpu.memref_slice %arg11[%dma_start3A_92, %dma_start3A_93] : memref<128x128xf32, #tpu.memory_space<vmem>> -> memref<128x128xf32, #tpu.memory_space<vmem>>
    %dma_start3A_95 = arith.constant 0 : i32
    %dma_start3A_96 = tpu.memref_slice %arg6[%add3A_91, %dma_start3A_95] : memref<10240x128xf32, #tpu.memory_space<vmem_shared>> -> memref<128x128xf32, #tpu.memory_space<vmem_shared>>
    %dma_start3A_97 = arith.constant 0 : i32
    %dma_start3A_98 = tpu.memref_slice %arg6[%add3A_91, %dma_start3A_97] : memref<10240x128xf32, #tpu.memory_space<vmem_shared>> -> memref<128x128xf32, #tpu.memory_space<vmem_shared>>
    %dma_start3A_99 = arith.constant 0 : i32
    %dma_start3A_100 = arith.constant 0 : i32
    %dma_start3A_101 = tpu.memref_slice %arg11[%dma_start3A_99, %dma_start3A_100] : memref<128x128xf32, #tpu.memory_space<vmem>> -> memref<128x128xf32, #tpu.memory_space<vmem>>
    tpu.enqueue_dma source(%dma_start3A_101 : memref<128x128xf32, #tpu.memory_space<vmem>>) target(%dma_start3A_98 : memref<128x128xf32, #tpu.memory_space<vmem_shared>>) target_semaphore(%arg19 : memref<!tpu.dma_semaphore, #tpu.memory_space<semaphore_mem>>)
    %add3A_102 = arith.constant 0 : i32
    %add3A_103 = arith.addi %mul3A_4, %add3A_102 : i32
    %dma_wait3A_104 = arith.constant 0 : i32
    %dma_wait3A_105 = arith.constant 0 : i32
    %dma_wait3A_106 = tpu.memref_slice %arg11[%dma_wait3A_104, %dma_wait3A_105] : memref<128x128xf32, #tpu.memory_space<vmem>> -> memref<128x128xf32, #tpu.memory_space<vmem>>
    %dma_wait3A_107 = arith.constant 0 : i32
    %dma_wait3A_108 = tpu.memref_slice %arg6[%add3A_103, %dma_wait3A_107] : memref<10240x128xf32, #tpu.memory_space<vmem_shared>> -> memref<128x128xf32, #tpu.memory_space<vmem_shared>>
    %dma_wait3A_109 = arith.constant 0 : i32
    %dma_wait3A_110 = tpu.memref_slice %arg6[%add3A_103, %dma_wait3A_109] : memref<10240x128xf32, #tpu.memory_space<vmem_shared>> -> memref<128x128xf32, #tpu.memory_space<vmem_shared>>
    %dma_wait3A_111 = arith.constant 0 : i32
    %dma_wait3A_112 = arith.constant 0 : i32
    %dma_wait3A_113 = tpu.memref_slice %arg11[%dma_wait3A_111, %dma_wait3A_112] : memref<128x128xf32, #tpu.memory_space<vmem>> -> memref<128x128xf32, #tpu.memory_space<vmem>>
    tpu.wait_dma2 semaphore(%arg19 : memref<!tpu.dma_semaphore, #tpu.memory_space<semaphore_mem>>) src(%dma_wait3A_113 : memref<128x128xf32, #tpu.memory_space<vmem>>) dst(%dma_wait3A_110 : memref<128x128xf32, #tpu.memory_space<vmem_shared>>)
    %add3A_114 = arith.constant 128 : i32
    %add3A_115 = arith.addi %mul3A_4, %add3A_114 : i32
    %dma_wait3A_116 = arith.constant 0 : i32
    %dma_wait3A_117 = arith.constant 0 : i32
    %dma_wait3A_118 = tpu.memref_slice %arg11[%dma_wait3A_116, %dma_wait3A_117] : memref<128x128xf32, #tpu.memory_space<vmem>> -> memref<128x128xf32, #tpu.memory_space<vmem>>
    %dma_wait3A_119 = arith.constant 0 : i32
    %dma_wait3A_120 = tpu.memref_slice %arg6[%add3A_115, %dma_wait3A_119] : memref<10240x128xf32, #tpu.memory_space<vmem_shared>> -> memref<128x128xf32, #tpu.memory_space<vmem_shared>>
    %dma_wait3A_121 = arith.constant 0 : i32
    %dma_wait3A_122 = tpu.memref_slice %arg6[%add3A_115, %dma_wait3A_121] : memref<10240x128xf32, #tpu.memory_space<vmem_shared>> -> memref<128x128xf32, #tpu.memory_space<vmem_shared>>
    %dma_wait3A_123 = arith.constant 0 : i32
    %dma_wait3A_124 = arith.constant 0 : i32
    %dma_wait3A_125 = tpu.memref_slice %arg11[%dma_wait3A_123, %dma_wait3A_124] : memref<128x128xf32, #tpu.memory_space<vmem>> -> memref<128x128xf32, #tpu.memory_space<vmem>>
    tpu.wait_dma2 semaphore(%arg19 : memref<!tpu.dma_semaphore, #tpu.memory_space<semaphore_mem>>) src(%dma_wait3A_125 : memref<128x128xf32, #tpu.memory_space<vmem>>) dst(%dma_wait3A_122 : memref<128x128xf32, #tpu.memory_space<vmem_shared>>)
    %add3A_126 = arith.constant 256 : i32
    %add3A_127 = arith.addi %mul3A_4, %add3A_126 : i32
    %dma_wait3A_128 = arith.constant 0 : i32
    %dma_wait3A_129 = arith.constant 0 : i32
    %dma_wait3A_130 = tpu.memref_slice %arg11[%dma_wait3A_128, %dma_wait3A_129] : memref<128x128xf32, #tpu.memory_space<vmem>> -> memref<128x128xf32, #tpu.memory_space<vmem>>
    %dma_wait3A_131 = arith.constant 0 : i32
    %dma_wait3A_132 = tpu.memref_slice %arg6[%add3A_127, %dma_wait3A_131] : memref<10240x128xf32, #tpu.memory_space<vmem_shared>> -> memref<128x128xf32, #tpu.memory_space<vmem_shared>>
    %dma_wait3A_133 = arith.constant 0 : i32
    %dma_wait3A_134 = tpu.memref_slice %arg6[%add3A_127, %dma_wait3A_133] : memref<10240x128xf32, #tpu.memory_space<vmem_shared>> -> memref<128x128xf32, #tpu.memory_space<vmem_shared>>
    %dma_wait3A_135 = arith.constant 0 : i32
    %dma_wait3A_136 = arith.constant 0 : i32
    %dma_wait3A_137 = tpu.memref_slice %arg11[%dma_wait3A_135, %dma_wait3A_136] : memref<128x128xf32, #tpu.memory_space<vmem>> -> memref<128x128xf32, #tpu.memory_space<vmem>>
    tpu.wait_dma2 semaphore(%arg19 : memref<!tpu.dma_semaphore, #tpu.memory_space<semaphore_mem>>) src(%dma_wait3A_137 : memref<128x128xf32, #tpu.memory_space<vmem>>) dst(%dma_wait3A_134 : memref<128x128xf32, #tpu.memory_space<vmem_shared>>)
    %add3A_138 = arith.constant 384 : i32
    %add3A_139 = arith.addi %mul3A_4, %add3A_138 : i32
    %dma_wait3A_140 = arith.constant 0 : i32
    %dma_wait3A_141 = arith.constant 0 : i32
    %dma_wait3A_142 = tpu.memref_slice %arg11[%dma_wait3A_140, %dma_wait3A_141] : memref<128x128xf32, #tpu.memory_space<vmem>> -> memref<128x128xf32, #tpu.memory_space<vmem>>
    %dma_wait3A_143 = arith.constant 0 : i32
    %dma_wait3A_144 = tpu.memref_slice %arg6[%add3A_139, %dma_wait3A_143] : memref<10240x128xf32, #tpu.memory_space<vmem_shared>> -> memref<128x128xf32, #tpu.memory_space<vmem_shared>>
    %dma_wait3A_145 = arith.constant 0 : i32
    %dma_wait3A_146 = tpu.memref_slice %arg6[%add3A_139, %dma_wait3A_145] : memref<10240x128xf32, #tpu.memory_space<vmem_shared>> -> memref<128x128xf32, #tpu.memory_space<vmem_shared>>
    %dma_wait3A_147 = arith.constant 0 : i32
    %dma_wait3A_148 = arith.constant 0 : i32
    %dma_wait3A_149 = tpu.memref_slice %arg11[%dma_wait3A_147, %dma_wait3A_148] : memref<128x128xf32, #tpu.memory_space<vmem>> -> memref<128x128xf32, #tpu.memory_space<vmem>>
    tpu.wait_dma2 semaphore(%arg19 : memref<!tpu.dma_semaphore, #tpu.memory_space<semaphore_mem>>) src(%dma_wait3A_149 : memref<128x128xf32, #tpu.memory_space<vmem>>) dst(%dma_wait3A_146 : memref<128x128xf32, #tpu.memory_space<vmem_shared>>)
    %add3A_150 = arith.constant 512 : i32
    %add3A_151 = arith.addi %mul3A_4, %add3A_150 : i32
    %dma_wait3A_152 = arith.constant 0 : i32
    %dma_wait3A_153 = arith.constant 0 : i32
    %dma_wait3A_154 = tpu.memref_slice %arg11[%dma_wait3A_152, %dma_wait3A_153] : memref<128x128xf32, #tpu.memory_space<vmem>> -> memref<128x128xf32, #tpu.memory_space<vmem>>
    %dma_wait3A_155 = arith.constant 0 : i32
    %dma_wait3A_156 = tpu.memref_slice %arg6[%add3A_151, %dma_wait3A_155] : memref<10240x128xf32, #tpu.memory_space<vmem_shared>> -> memref<128x128xf32, #tpu.memory_space<vmem_shared>>
    %dma_wait3A_157 = arith.constant 0 : i32
    %dma_wait3A_158 = tpu.memref_slice %arg6[%add3A_151, %dma_wait3A_157] : memref<10240x128xf32, #tpu.memory_space<vmem_shared>> -> memref<128x128xf32, #tpu.memory_space<vmem_shared>>
    %dma_wait3A_159 = arith.constant 0 : i32
    %dma_wait3A_160 = arith.constant 0 : i32
    %dma_wait3A_161 = tpu.memref_slice %arg11[%dma_wait3A_159, %dma_wait3A_160] : memref<128x128xf32, #tpu.memory_space<vmem>> -> memref<128x128xf32, #tpu.memory_space<vmem>>
    tpu.wait_dma2 semaphore(%arg19 : memref<!tpu.dma_semaphore, #tpu.memory_space<semaphore_mem>>) src(%dma_wait3A_161 : memref<128x128xf32, #tpu.memory_space<vmem>>) dst(%dma_wait3A_158 : memref<128x128xf32, #tpu.memory_space<vmem_shared>>)
    %dma_wait3A_162 = tpu.memref_slice %arg3[%mul3A_2] : memref<320000xi32, #tpu.memory_space<hbm>> -> memref<10000xi32, #tpu.memory_space<hbm>>
    %dma_wait3A_163 = tpu.memref_slice %arg3[%mul3A_2] : memref<320000xi32, #tpu.memory_space<hbm>> -> memref<10000xi32, #tpu.memory_space<hbm>>
    tpu.wait_dma2 semaphore(%arg18 : memref<!tpu.dma_semaphore, #tpu.memory_space<semaphore_mem>>) src(%dma_wait3A_163 : memref<10000xi32, #tpu.memory_space<hbm>>) dst(%arg7 : memref<10000xi32, #tpu.memory_space<vmem>>)
    %barrier3A = arith.constant 0 : index
    tpu.barrier barrier_id(%barrier3A)
    %add3A_164 = arith.constant 128 : i32
    %add3A_165 = arith.addi %mul3A_2, %add3A_164 : i32
    %dma_wait3A_166 = arith.constant 0 : i32
    %dma_wait3A_167 = tpu.memref_slice %arg9[%dma_wait3A_166] : memref<128xi32, #tpu.memory_space<vmem>> -> memref<128xi32, #tpu.memory_space<vmem>>
    %dma_wait3A_168 = tpu.memref_slice %arg4[%add3A_165] : memref<320000xi32, #tpu.memory_space<hbm>> -> memref<128xi32, #tpu.memory_space<hbm>>
    %dma_wait3A_169 = arith.constant 0 : i32
    %dma_wait3A_170 = tpu.memref_slice %arg9[%dma_wait3A_169] : memref<128xi32, #tpu.memory_space<vmem>> -> memref<128xi32, #tpu.memory_space<vmem>>
    %dma_wait3A_171 = tpu.memref_slice %arg4[%add3A_165] : memref<320000xi32, #tpu.memory_space<hbm>> -> memref<128xi32, #tpu.memory_space<hbm>>
    tpu.wait_dma2 semaphore(%arg17 : memref<!tpu.dma_semaphore, #tpu.memory_space<semaphore_mem>>) src(%dma_wait3A_171 : memref<128xi32, #tpu.memory_space<hbm>>) dst(%dma_wait3A_170 : memref<128xi32, #tpu.memory_space<vmem>>)
    %dma_start3A_172 = arith.constant 0 : i32
    %dma_start3A_173 = arith.constant 0 : i32
    %dma_start3A_174 = tpu.memref_slice %arg11[%dma_start3A_172, %dma_start3A_173] : memref<128x128xf32, #tpu.memory_space<vmem>> -> memref<128x128xf32, #tpu.memory_space<vmem>>
    %dma_start3A_175 = arith.constant 0 : i32
    %dma_start3A_176 = tpu.memref_slice %arg9[%dma_start3A_175] : memref<128xi32, #tpu.memory_space<vmem>> -> memref<128xi32, #tpu.memory_space<vmem>>
    %dma_start3A_177 = arith.constant 0 : i32
    %dma_start3A_178 = arith.constant 0 : i32
    %dma_start3A_179 = tpu.memref_slice %arg2[%dma_start3A_177, %dma_start3A_178] : memref<10000x128xf32, #tpu.memory_space<hbm>> -> memref<10000x128xf32, #tpu.memory_space<hbm>>
    tpu.enqueue_indirect_dma source(%dma_start3A_179 : memref<10000x128xf32, #tpu.memory_space<hbm>>) target(%dma_start3A_174 : memref<128x128xf32, #tpu.memory_space<vmem>>) offsets(%dma_start3A_176 : memref<128xi32, #tpu.memory_space<vmem>>) semaphore(%arg13 : memref<!tpu.dma_semaphore, #tpu.memory_space<semaphore_mem>>)
    %dma_wait3A_180 = arith.constant 0 : i32
    %dma_wait3A_181 = arith.constant 0 : i32
    %dma_wait3A_182 = tpu.memref_slice %arg10[%dma_wait3A_180, %dma_wait3A_181] : memref<128x128xf32, #tpu.memory_space<vmem>> -> memref<128x128xf32, #tpu.memory_space<vmem>>
    %dma_wait3A_183 = arith.constant 0 : i32
    %dma_wait3A_184 = tpu.memref_slice %arg8[%dma_wait3A_183] : memref<128xi32, #tpu.memory_space<vmem>> -> memref<128xi32, #tpu.memory_space<vmem>>
    %dma_wait3A_185 = arith.constant 0 : i32
    %dma_wait3A_186 = arith.constant 0 : i32
    %dma_wait3A_187 = tpu.memref_slice %arg2[%dma_wait3A_185, %dma_wait3A_186] : memref<10000x128xf32, #tpu.memory_space<hbm>> -> memref<10000x128xf32, #tpu.memory_space<hbm>>
    tpu.wait_indirect_dma semaphore(%arg12 : memref<!tpu.dma_semaphore, #tpu.memory_space<semaphore_mem>>) src(%dma_wait3A_187 : memref<10000x128xf32, #tpu.memory_space<hbm>>) dst(%dma_wait3A_182 : memref<128x128xf32, #tpu.memory_space<vmem>>)
    %add3A_188 = arith.constant 256 : i32
    %add3A_189 = arith.addi %mul3A_2, %add3A_188 : i32
    %dma_start3A_190 = arith.constant 0 : i32
    %dma_start3A_191 = tpu.memref_slice %arg8[%dma_start3A_190] : memref<128xi32, #tpu.memory_space<vmem>> -> memref<128xi32, #tpu.memory_space<vmem>>
    %dma_start3A_192 = tpu.memref_slice %arg4[%add3A_189] : memref<320000xi32, #tpu.memory_space<hbm>> -> memref<128xi32, #tpu.memory_space<hbm>>
    %dma_start3A_193 = arith.constant 0 : i32
    %dma_start3A_194 = tpu.memref_slice %arg8[%dma_start3A_193] : memref<128xi32, #tpu.memory_space<vmem>> -> memref<128xi32, #tpu.memory_space<vmem>>
    %dma_start3A_195 = tpu.memref_slice %arg4[%add3A_189] : memref<320000xi32, #tpu.memory_space<hbm>> -> memref<128xi32, #tpu.memory_space<hbm>>
    tpu.enqueue_dma source(%dma_start3A_195 : memref<128xi32, #tpu.memory_space<hbm>>) target(%dma_start3A_194 : memref<128xi32, #tpu.memory_space<vmem>>) target_semaphore(%arg16 : memref<!tpu.dma_semaphore, #tpu.memory_space<semaphore_mem>>)
    %dma_start3A_196 = arith.constant 0 : i32
    %dma_start3A_197 = arith.constant 0 : i32
    %dma_start3A_198 = tpu.memref_slice %arg10[%dma_start3A_196, %dma_start3A_197] : memref<128x128xf32, #tpu.memory_space<vmem>> -> memref<128x128xf32, #tpu.memory_space<vmem>>
    %dma_start3A_199 = arith.constant 0 : i32
    %dma_start3A_200 = tpu.memref_slice %arg7[%dma_start3A_199] : memref<10000xi32, #tpu.memory_space<vmem>> -> memref<128xi32, #tpu.memory_space<vmem>>
    %dma_start3A_201 = arith.constant 0 : i32
    %dma_start3A_202 = arith.constant 0 : i32
    %dma_start3A_203 = tpu.memref_slice %arg6[%dma_start3A_201, %dma_start3A_202] : memref<10240x128xf32, #tpu.memory_space<vmem_shared>> -> memref<10240x128xf32, #tpu.memory_space<vmem_shared>>
    tpu.enqueue_indirect_dma source(%dma_start3A_198 : memref<128x128xf32, #tpu.memory_space<vmem>>) target(%dma_start3A_203 : memref<10240x128xf32, #tpu.memory_space<vmem_shared>>) offsets(%dma_start3A_200 : memref<128xi32, #tpu.memory_space<vmem>>) semaphore(%arg14 : memref<!tpu.dma_semaphore, #tpu.memory_space<semaphore_mem>>) {add = true}
    %dma_wait3A_204 = arith.constant 0 : i32
    %dma_wait3A_205 = arith.constant 0 : i32
    %dma_wait3A_206 = tpu.memref_slice %arg10[%dma_wait3A_204, %dma_wait3A_205] : memref<128x128xf32, #tpu.memory_space<vmem>> -> memref<128x128xf32, #tpu.memory_space<vmem>>
    %dma_wait3A_207 = arith.constant 0 : i32
    %dma_wait3A_208 = tpu.memref_slice %arg7[%dma_wait3A_207] : memref<10000xi32, #tpu.memory_space<vmem>> -> memref<128xi32, #tpu.memory_space<vmem>>
    %dma_wait3A_209 = arith.constant 0 : i32
    %dma_wait3A_210 = arith.constant 0 : i32
    %dma_wait3A_211 = tpu.memref_slice %arg6[%dma_wait3A_209, %dma_wait3A_210] : memref<10240x128xf32, #tpu.memory_space<vmem_shared>> -> memref<10240x128xf32, #tpu.memory_space<vmem_shared>>
    tpu.wait_indirect_dma semaphore(%arg14 : memref<!tpu.dma_semaphore, #tpu.memory_space<semaphore_mem>>) src(%dma_wait3A_206 : memref<128x128xf32, #tpu.memory_space<vmem>>) dst(%dma_wait3A_211 : memref<10240x128xf32, #tpu.memory_space<vmem_shared>>)
    %add3A_212 = arith.constant 256 : i32
    %add3A_213 = arith.addi %mul3A_2, %add3A_212 : i32
    %dma_wait3A_214 = arith.constant 0 : i32
    %dma_wait3A_215 = tpu.memref_slice %arg8[%dma_wait3A_214] : memref<128xi32, #tpu.memory_space<vmem>> -> memref<128xi32, #tpu.memory_space<vmem>>
    %dma_wait3A_216 = tpu.memref_slice %arg4[%add3A_213] : memref<320000xi32, #tpu.memory_space<hbm>> -> memref<128xi32, #tpu.memory_space<hbm>>
    %dma_wait3A_217 = arith.constant 0 : i32
    %dma_wait3A_218 = tpu.memref_slice %arg8[%dma_wait3A_217] : memref<128xi32, #tpu.memory_space<vmem>> -> memref<128xi32, #tpu.memory_space<vmem>>
    %dma_wait3A_219 = tpu.memref_slice %arg4[%add3A_213] : memref<320000xi32, #tpu.memory_space<hbm>> -> memref<128xi32, #tpu.memory_space<hbm>>
    tpu.wait_dma2 semaphore(%arg16 : memref<!tpu.dma_semaphore, #tpu.memory_space<semaphore_mem>>) src(%dma_wait3A_219 : memref<128xi32, #tpu.memory_space<hbm>>) dst(%dma_wait3A_218 : memref<128xi32, #tpu.memory_space<vmem>>)
    %dma_start3A_220 = arith.constant 0 : i32
    %dma_start3A_221 = arith.constant 0 : i32
    %dma_start3A_222 = tpu.memref_slice %arg10[%dma_start3A_220, %dma_start3A_221] : memref<128x128xf32, #tpu.memory_space<vmem>> -> memref<128x128xf32, #tpu.memory_space<vmem>>
    %dma_start3A_223 = arith.constant 0 : i32
    %dma_start3A_224 = tpu.memref_slice %arg8[%dma_start3A_223] : memref<128xi32, #tpu.memory_space<vmem>> -> memref<128xi32, #tpu.memory_space<vmem>>
    %dma_start3A_225 = arith.constant 0 : i32
    %dma_start3A_226 = arith.constant 0 : i32
    %dma_start3A_227 = tpu.memref_slice %arg2[%dma_start3A_225, %dma_start3A_226] : memref<10000x128xf32, #tpu.memory_space<hbm>> -> memref<10000x128xf32, #tpu.memory_space<hbm>>
    tpu.enqueue_indirect_dma source(%dma_start3A_227 : memref<10000x128xf32, #tpu.memory_space<hbm>>) target(%dma_start3A_222 : memref<128x128xf32, #tpu.memory_space<vmem>>) offsets(%dma_start3A_224 : memref<128xi32, #tpu.memory_space<vmem>>) semaphore(%arg12 : memref<!tpu.dma_semaphore, #tpu.memory_space<semaphore_mem>>)
    %dma_wait3A_228 = arith.constant 0 : i32
    %dma_wait3A_229 = arith.constant 0 : i32
    %dma_wait3A_230 = tpu.memref_slice %arg11[%dma_wait3A_228, %dma_wait3A_229] : memref<128x128xf32, #tpu.memory_space<vmem>> -> memref<128x128xf32, #tpu.memory_space<vmem>>
    %dma_wait3A_231 = arith.constant 0 : i32
    %dma_wait3A_232 = tpu.memref_slice %arg9[%dma_wait3A_231] : memref<128xi32, #tpu.memory_space<vmem>> -> memref<128xi32, #tpu.memory_space<vmem>>
    %dma_wait3A_233 = arith.constant 0 : i32
    %dma_wait3A_234 = arith.constant 0 : i32
    %dma_wait3A_235 = tpu.memref_slice %arg2[%dma_wait3A_233, %dma_wait3A_234] : memref<10000x128xf32, #tpu.memory_space<hbm>> -> memref<10000x128xf32, #tpu.memory_space<hbm>>
    tpu.wait_indirect_dma semaphore(%arg13 : memref<!tpu.dma_semaphore, #tpu.memory_space<semaphore_mem>>) src(%dma_wait3A_235 : memref<10000x128xf32, #tpu.memory_space<hbm>>) dst(%dma_wait3A_230 : memref<128x128xf32, #tpu.memory_space<vmem>>)
    %add3A_236 = arith.constant 384 : i32
    %add3A_237 = arith.addi %mul3A_2, %add3A_236 : i32
    %dma_start3A_238 = arith.constant 0 : i32
    %dma_start3A_239 = tpu.memref_slice %arg9[%dma_start3A_238] : memref<128xi32, #tpu.memory_space<vmem>> -> memref<128xi32, #tpu.memory_space<vmem>>
    %dma_start3A_240 = tpu.memref_slice %arg4[%add3A_237] : memref<320000xi32, #tpu.memory_space<hbm>> -> memref<128xi32, #tpu.memory_space<hbm>>
    %dma_start3A_241 = arith.constant 0 : i32
    %dma_start3A_242 = tpu.memref_slice %arg9[%dma_start3A_241] : memref<128xi32, #tpu.memory_space<vmem>> -> memref<128xi32, #tpu.memory_space<vmem>>
    %dma_start3A_243 = tpu.memref_slice %arg4[%add3A_237] : memref<320000xi32, #tpu.memory_space<hbm>> -> memref<128xi32, #tpu.memory_space<hbm>>
    tpu.enqueue_dma source(%dma_start3A_243 : memref<128xi32, #tpu.memory_space<hbm>>) target(%dma_start3A_242 : memref<128xi32, #tpu.memory_space<vmem>>) target_semaphore(%arg17 : memref<!tpu.dma_semaphore, #tpu.memory_space<semaphore_mem>>)
    %dma_start3A_244 = arith.constant 0 : i32
    %dma_start3A_245 = arith.constant 0 : i32
    %dma_start3A_246 = tpu.memref_slice %arg11[%dma_start3A_244, %dma_start3A_245] : memref<128x128xf32, #tpu.memory_space<vmem>> -> memref<128x128xf32, #tpu.memory_space<vmem>>
    %dma_start3A_247 = arith.constant 128 : i32
    %dma_start3A_248 = tpu.memref_slice %arg7[%dma_start3A_247] : memref<10000xi32, #tpu.memory_space<vmem>> -> memref<128xi32, #tpu.memory_space<vmem>>
    %dma_start3A_249 = arith.constant 0 : i32
    %dma_start3A_250 = arith.constant 0 : i32
    %dma_start3A_251 = tpu.memref_slice %arg6[%dma_start3A_249, %dma_start3A_250] : memref<10240x128xf32, #tpu.memory_space<vmem_shared>> -> memref<10240x128xf32, #tpu.memory_space<vmem_shared>>
    tpu.enqueue_indirect_dma source(%dma_start3A_246 : memref<128x128xf32, #tpu.memory_space<vmem>>) target(%dma_start3A_251 : memref<10240x128xf32, #tpu.memory_space<vmem_shared>>) offsets(%dma_start3A_248 : memref<128xi32, #tpu.memory_space<vmem>>) semaphore(%arg15 : memref<!tpu.dma_semaphore, #tpu.memory_space<semaphore_mem>>) {add = true}
    %scan3A_252 = arith.constant 0 : i32
    %scan3A_253 = arith.constant 37 : i32
    %scan3A_254 = arith.addi %scan3A_252, %scan3A_253 : i32
    %scan3A_255 = arith.constant 1 : i32
    scf.for %scan3A_378 = %scan3A_252 to %scan3A_254 step %scan3A_255  : i32 {
      %mul3A_379 = arith.constant 2 : i32
      %mul3A_380 = arith.muli %scan3A_378, %mul3A_379 : i32
      %add3A_381 = arith.constant 2 : i32
      %add3A_382 = arith.addi %add3A_381, %mul3A_380 : i32
      %add3A_383 = arith.constant 0 : i32
      %add3A_384 = arith.addi %add3A_382, %add3A_383 : i32
      %sub3A = arith.constant 1 : i32
      %sub3A_385 = arith.subi %add3A_384, %sub3A : i32
      %mul3A_386 = arith.constant 128 : i32
      %mul3A_387 = arith.muli %sub3A_385, %mul3A_386 : i32
      %dma_wait3A_388 = arith.constant 0 : i32
      %dma_wait3A_389 = arith.constant 0 : i32
      %dma_wait3A_390 = tpu.memref_slice %arg11[%dma_wait3A_388, %dma_wait3A_389] : memref<128x128xf32, #tpu.memory_space<vmem>> -> memref<128x128xf32, #tpu.memory_space<vmem>>
      %dma_wait3A_391 = tpu.memref_slice %arg7[%mul3A_387] : memref<10000xi32, #tpu.memory_space<vmem>> -> memref<128xi32, #tpu.memory_space<vmem>>
      %dma_wait3A_392 = arith.constant 0 : i32
      %dma_wait3A_393 = arith.constant 0 : i32
      %dma_wait3A_394 = tpu.memref_slice %arg6[%dma_wait3A_392, %dma_wait3A_393] : memref<10240x128xf32, #tpu.memory_space<vmem_shared>> -> memref<10240x128xf32, #tpu.memory_space<vmem_shared>>
      tpu.wait_indirect_dma semaphore(%arg15 : memref<!tpu.dma_semaphore, #tpu.memory_space<semaphore_mem>>) src(%dma_wait3A_390 : memref<128x128xf32, #tpu.memory_space<vmem>>) dst(%dma_wait3A_394 : memref<10240x128xf32, #tpu.memory_space<vmem_shared>>)
      %add3A_395 = arith.constant 1 : i32
      %add3A_396 = arith.addi %add3A_384, %add3A_395 : i32
      %mul3A_397 = arith.constant 128 : i32
      %mul3A_398 = arith.muli %add3A_396, %mul3A_397 : i32
      %add3A_399 = arith.addi %mul3A_2, %mul3A_398 : i32
      %dma_wait3A_400 = arith.constant 0 : i32
      %dma_wait3A_401 = tpu.memref_slice %arg9[%dma_wait3A_400] : memref<128xi32, #tpu.memory_space<vmem>> -> memref<128xi32, #tpu.memory_space<vmem>>
      %dma_wait3A_402 = tpu.memref_slice %arg4[%add3A_399] : memref<320000xi32, #tpu.memory_space<hbm>> -> memref<128xi32, #tpu.memory_space<hbm>>
      %dma_wait3A_403 = arith.constant 0 : i32
      %dma_wait3A_404 = tpu.memref_slice %arg9[%dma_wait3A_403] : memref<128xi32, #tpu.memory_space<vmem>> -> memref<128xi32, #tpu.memory_space<vmem>>
      %dma_wait3A_405 = tpu.memref_slice %arg4[%add3A_399] : memref<320000xi32, #tpu.memory_space<hbm>> -> memref<128xi32, #tpu.memory_space<hbm>>
      tpu.wait_dma2 semaphore(%arg17 : memref<!tpu.dma_semaphore, #tpu.memory_space<semaphore_mem>>) src(%dma_wait3A_405 : memref<128xi32, #tpu.memory_space<hbm>>) dst(%dma_wait3A_404 : memref<128xi32, #tpu.memory_space<vmem>>)
      %add3A_406 = arith.constant 1 : i32
      %add3A_407 = arith.addi %add3A_384, %add3A_406 : i32
      %dma_start3A_408 = arith.constant 0 : i32
      %dma_start3A_409 = arith.constant 0 : i32
      %dma_start3A_410 = tpu.memref_slice %arg11[%dma_start3A_408, %dma_start3A_409] : memref<128x128xf32, #tpu.memory_space<vmem>> -> memref<128x128xf32, #tpu.memory_space<vmem>>
      %dma_start3A_411 = arith.constant 0 : i32
      %dma_start3A_412 = tpu.memref_slice %arg9[%dma_start3A_411] : memref<128xi32, #tpu.memory_space<vmem>> -> memref<128xi32, #tpu.memory_space<vmem>>
      %dma_start3A_413 = arith.constant 0 : i32
      %dma_start3A_414 = arith.constant 0 : i32
      %dma_start3A_415 = tpu.memref_slice %arg2[%dma_start3A_413, %dma_start3A_414] : memref<10000x128xf32, #tpu.memory_space<hbm>> -> memref<10000x128xf32, #tpu.memory_space<hbm>>
      tpu.enqueue_indirect_dma source(%dma_start3A_415 : memref<10000x128xf32, #tpu.memory_space<hbm>>) target(%dma_start3A_410 : memref<128x128xf32, #tpu.memory_space<vmem>>) offsets(%dma_start3A_412 : memref<128xi32, #tpu.memory_space<vmem>>) semaphore(%arg13 : memref<!tpu.dma_semaphore, #tpu.memory_space<semaphore_mem>>)
      %dma_wait3A_416 = arith.constant 0 : i32
      %dma_wait3A_417 = arith.constant 0 : i32
      %dma_wait3A_418 = tpu.memref_slice %arg10[%dma_wait3A_416, %dma_wait3A_417] : memref<128x128xf32, #tpu.memory_space<vmem>> -> memref<128x128xf32, #tpu.memory_space<vmem>>
      %dma_wait3A_419 = arith.constant 0 : i32
      %dma_wait3A_420 = tpu.memref_slice %arg8[%dma_wait3A_419] : memref<128xi32, #tpu.memory_space<vmem>> -> memref<128xi32, #tpu.memory_space<vmem>>
      %dma_wait3A_421 = arith.constant 0 : i32
      %dma_wait3A_422 = arith.constant 0 : i32
      %dma_wait3A_423 = tpu.memref_slice %arg2[%dma_wait3A_421, %dma_wait3A_422] : memref<10000x128xf32, #tpu.memory_space<hbm>> -> memref<10000x128xf32, #tpu.memory_space<hbm>>
      tpu.wait_indirect_dma semaphore(%arg12 : memref<!tpu.dma_semaphore, #tpu.memory_space<semaphore_mem>>) src(%dma_wait3A_423 : memref<10000x128xf32, #tpu.memory_space<hbm>>) dst(%dma_wait3A_418 : memref<128x128xf32, #tpu.memory_space<vmem>>)
      %add3A_424 = arith.constant 2 : i32
      %add3A_425 = arith.addi %add3A_384, %add3A_424 : i32
      %mul3A_426 = arith.constant 128 : i32
      %mul3A_427 = arith.muli %add3A_425, %mul3A_426 : i32
      %add3A_428 = arith.addi %mul3A_2, %mul3A_427 : i32
      %dma_start3A_429 = arith.constant 0 : i32
      %dma_start3A_430 = tpu.memref_slice %arg8[%dma_start3A_429] : memref<128xi32, #tpu.memory_space<vmem>> -> memref<128xi32, #tpu.memory_space<vmem>>
      %dma_start3A_431 = tpu.memref_slice %arg4[%add3A_428] : memref<320000xi32, #tpu.memory_space<hbm>> -> memref<128xi32, #tpu.memory_space<hbm>>
      %dma_start3A_432 = arith.constant 0 : i32
      %dma_start3A_433 = tpu.memref_slice %arg8[%dma_start3A_432] : memref<128xi32, #tpu.memory_space<vmem>> -> memref<128xi32, #tpu.memory_space<vmem>>
      %dma_start3A_434 = tpu.memref_slice %arg4[%add3A_428] : memref<320000xi32, #tpu.memory_space<hbm>> -> memref<128xi32, #tpu.memory_space<hbm>>
      tpu.enqueue_dma source(%dma_start3A_434 : memref<128xi32, #tpu.memory_space<hbm>>) target(%dma_start3A_433 : memref<128xi32, #tpu.memory_space<vmem>>) target_semaphore(%arg16 : memref<!tpu.dma_semaphore, #tpu.memory_space<semaphore_mem>>)
      %mul3A_435 = arith.constant 128 : i32
      %mul3A_436 = arith.muli %add3A_384, %mul3A_435 : i32
      %dma_start3A_437 = arith.constant 0 : i32
      %dma_start3A_438 = arith.constant 0 : i32
      %dma_start3A_439 = tpu.memref_slice %arg10[%dma_start3A_437, %dma_start3A_438] : memref<128x128xf32, #tpu.memory_space<vmem>> -> memref<128x128xf32, #tpu.memory_space<vmem>>
      %dma_start3A_440 = tpu.memref_slice %arg7[%mul3A_436] : memref<10000xi32, #tpu.memory_space<vmem>> -> memref<128xi32, #tpu.memory_space<vmem>>
      %dma_start3A_441 = arith.constant 0 : i32
      %dma_start3A_442 = arith.constant 0 : i32
      %dma_start3A_443 = tpu.memref_slice %arg6[%dma_start3A_441, %dma_start3A_442] : memref<10240x128xf32, #tpu.memory_space<vmem_shared>> -> memref<10240x128xf32, #tpu.memory_space<vmem_shared>>
      tpu.enqueue_indirect_dma source(%dma_start3A_439 : memref<128x128xf32, #tpu.memory_space<vmem>>) target(%dma_start3A_443 : memref<10240x128xf32, #tpu.memory_space<vmem_shared>>) offsets(%dma_start3A_440 : memref<128xi32, #tpu.memory_space<vmem>>) semaphore(%arg14 : memref<!tpu.dma_semaphore, #tpu.memory_space<semaphore_mem>>) {add = true}
      %add3A_444 = arith.constant 1 : i32
      %add3A_445 = arith.addi %add3A_382, %add3A_444 : i32
      %sub3A_446 = arith.constant 1 : i32
      %sub3A_447 = arith.subi %add3A_445, %sub3A_446 : i32
      %mul3A_448 = arith.constant 128 : i32
      %mul3A_449 = arith.muli %sub3A_447, %mul3A_448 : i32
      %dma_wait3A_450 = arith.constant 0 : i32
      %dma_wait3A_451 = arith.constant 0 : i32
      %dma_wait3A_452 = tpu.memref_slice %arg10[%dma_wait3A_450, %dma_wait3A_451] : memref<128x128xf32, #tpu.memory_space<vmem>> -> memref<128x128xf32, #tpu.memory_space<vmem>>
      %dma_wait3A_453 = tpu.memref_slice %arg7[%mul3A_449] : memref<10000xi32, #tpu.memory_space<vmem>> -> memref<128xi32, #tpu.memory_space<vmem>>
      %dma_wait3A_454 = arith.constant 0 : i32
      %dma_wait3A_455 = arith.constant 0 : i32
      %dma_wait3A_456 = tpu.memref_slice %arg6[%dma_wait3A_454, %dma_wait3A_455] : memref<10240x128xf32, #tpu.memory_space<vmem_shared>> -> memref<10240x128xf32, #tpu.memory_space<vmem_shared>>
      tpu.wait_indirect_dma semaphore(%arg14 : memref<!tpu.dma_semaphore, #tpu.memory_space<semaphore_mem>>) src(%dma_wait3A_452 : memref<128x128xf32, #tpu.memory_space<vmem>>) dst(%dma_wait3A_456 : memref<10240x128xf32, #tpu.memory_space<vmem_shared>>)
      %add3A_457 = arith.constant 1 : i32
      %add3A_458 = arith.addi %add3A_445, %add3A_457 : i32
      %mul3A_459 = arith.constant 128 : i32
      %mul3A_460 = arith.muli %add3A_458, %mul3A_459 : i32
      %add3A_461 = arith.addi %mul3A_2, %mul3A_460 : i32
      %dma_wait3A_462 = arith.constant 0 : i32
      %dma_wait3A_463 = tpu.memref_slice %arg8[%dma_wait3A_462] : memref<128xi32, #tpu.memory_space<vmem>> -> memref<128xi32, #tpu.memory_space<vmem>>
      %dma_wait3A_464 = tpu.memref_slice %arg4[%add3A_461] : memref<320000xi32, #tpu.memory_space<hbm>> -> memref<128xi32, #tpu.memory_space<hbm>>
      %dma_wait3A_465 = arith.constant 0 : i32
      %dma_wait3A_466 = tpu.memref_slice %arg8[%dma_wait3A_465] : memref<128xi32, #tpu.memory_space<vmem>> -> memref<128xi32, #tpu.memory_space<vmem>>
      %dma_wait3A_467 = tpu.memref_slice %arg4[%add3A_461] : memref<320000xi32, #tpu.memory_space<hbm>> -> memref<128xi32, #tpu.memory_space<hbm>>
      tpu.wait_dma2 semaphore(%arg16 : memref<!tpu.dma_semaphore, #tpu.memory_space<semaphore_mem>>) src(%dma_wait3A_467 : memref<128xi32, #tpu.memory_space<hbm>>) dst(%dma_wait3A_466 : memref<128xi32, #tpu.memory_space<vmem>>)
      %add3A_468 = arith.constant 1 : i32
      %add3A_469 = arith.addi %add3A_445, %add3A_468 : i32
      %dma_start3A_470 = arith.constant 0 : i32
      %dma_start3A_471 = arith.constant 0 : i32
      %dma_start3A_472 = tpu.memref_slice %arg10[%dma_start3A_470, %dma_start3A_471] : memref<128x128xf32, #tpu.memory_space<vmem>> -> memref<128x128xf32, #tpu.memory_space<vmem>>
      %dma_start3A_473 = arith.constant 0 : i32
      %dma_start3A_474 = tpu.memref_slice %arg8[%dma_start3A_473] : memref<128xi32, #tpu.memory_space<vmem>> -> memref<128xi32, #tpu.memory_space<vmem>>
      %dma_start3A_475 = arith.constant 0 : i32
      %dma_start3A_476 = arith.constant 0 : i32
      %dma_start3A_477 = tpu.memref_slice %arg2[%dma_start3A_475, %dma_start3A_476] : memref<10000x128xf32, #tpu.memory_space<hbm>> -> memref<10000x128xf32, #tpu.memory_space<hbm>>
      tpu.enqueue_indirect_dma source(%dma_start3A_477 : memref<10000x128xf32, #tpu.memory_space<hbm>>) target(%dma_start3A_472 : memref<128x128xf32, #tpu.memory_space<vmem>>) offsets(%dma_start3A_474 : memref<128xi32, #tpu.memory_space<vmem>>) semaphore(%arg12 : memref<!tpu.dma_semaphore, #tpu.memory_space<semaphore_mem>>)
      %dma_wait3A_478 = arith.constant 0 : i32
      %dma_wait3A_479 = arith.constant 0 : i32
      %dma_wait3A_480 = tpu.memref_slice %arg11[%dma_wait3A_478, %dma_wait3A_479] : memref<128x128xf32, #tpu.memory_space<vmem>> -> memref<128x128xf32, #tpu.memory_space<vmem>>
      %dma_wait3A_481 = arith.constant 0 : i32
      %dma_wait3A_482 = tpu.memref_slice %arg9[%dma_wait3A_481] : memref<128xi32, #tpu.memory_space<vmem>> -> memref<128xi32, #tpu.memory_space<vmem>>
      %dma_wait3A_483 = arith.constant 0 : i32
      %dma_wait3A_484 = arith.constant 0 : i32
      %dma_wait3A_485 = tpu.memref_slice %arg2[%dma_wait3A_483, %dma_wait3A_484] : memref<10000x128xf32, #tpu.memory_space<hbm>> -> memref<10000x128xf32, #tpu.memory_space<hbm>>
      tpu.wait_indirect_dma semaphore(%arg13 : memref<!tpu.dma_semaphore, #tpu.memory_space<semaphore_mem>>) src(%dma_wait3A_485 : memref<10000x128xf32, #tpu.memory_space<hbm>>) dst(%dma_wait3A_480 : memref<128x128xf32, #tpu.memory_space<vmem>>)
      %add3A_486 = arith.constant 2 : i32
      %add3A_487 = arith.addi %add3A_445, %add3A_486 : i32
      %mul3A_488 = arith.constant 128 : i32
      %mul3A_489 = arith.muli %add3A_487, %mul3A_488 : i32
      %add3A_490 = arith.addi %mul3A_2, %mul3A_489 : i32
      %dma_start3A_491 = arith.constant 0 : i32
      %dma_start3A_492 = tpu.memref_slice %arg9[%dma_start3A_491] : memref<128xi32, #tpu.memory_space<vmem>> -> memref<128xi32, #tpu.memory_space<vmem>>
      %dma_start3A_493 = tpu.memref_slice %arg4[%add3A_490] : memref<320000xi32, #tpu.memory_space<hbm>> -> memref<128xi32, #tpu.memory_space<hbm>>
      %dma_start3A_494 = arith.constant 0 : i32
      %dma_start3A_495 = tpu.memref_slice %arg9[%dma_start3A_494] : memref<128xi32, #tpu.memory_space<vmem>> -> memref<128xi32, #tpu.memory_space<vmem>>
      %dma_start3A_496 = tpu.memref_slice %arg4[%add3A_490] : memref<320000xi32, #tpu.memory_space<hbm>> -> memref<128xi32, #tpu.memory_space<hbm>>
      tpu.enqueue_dma source(%dma_start3A_496 : memref<128xi32, #tpu.memory_space<hbm>>) target(%dma_start3A_495 : memref<128xi32, #tpu.memory_space<vmem>>) target_semaphore(%arg17 : memref<!tpu.dma_semaphore, #tpu.memory_space<semaphore_mem>>)
      %mul3A_497 = arith.constant 128 : i32
      %mul3A_498 = arith.muli %add3A_445, %mul3A_497 : i32
      %dma_start3A_499 = arith.constant 0 : i32
      %dma_start3A_500 = arith.constant 0 : i32
      %dma_start3A_501 = tpu.memref_slice %arg11[%dma_start3A_499, %dma_start3A_500] : memref<128x128xf32, #tpu.memory_space<vmem>> -> memref<128x128xf32, #tpu.memory_space<vmem>>
      %dma_start3A_502 = tpu.memref_slice %arg7[%mul3A_498] : memref<10000xi32, #tpu.memory_space<vmem>> -> memref<128xi32, #tpu.memory_space<vmem>>
      %dma_start3A_503 = arith.constant 0 : i32
      %dma_start3A_504 = arith.constant 0 : i32
      %dma_start3A_505 = tpu.memref_slice %arg6[%dma_start3A_503, %dma_start3A_504] : memref<10240x128xf32, #tpu.memory_space<vmem_shared>> -> memref<10240x128xf32, #tpu.memory_space<vmem_shared>>
      tpu.enqueue_indirect_dma source(%dma_start3A_501 : memref<128x128xf32, #tpu.memory_space<vmem>>) target(%dma_start3A_505 : memref<10240x128xf32, #tpu.memory_space<vmem_shared>>) offsets(%dma_start3A_502 : memref<128xi32, #tpu.memory_space<vmem>>) semaphore(%arg15 : memref<!tpu.dma_semaphore, #tpu.memory_space<semaphore_mem>>) {add = true}
    }
    %scan3A_256 = arith.constant 37 : i32
    %dma_wait3A_257 = arith.constant 0 : i32
    %dma_wait3A_258 = arith.constant 0 : i32
    %dma_wait3A_259 = tpu.memref_slice %arg11[%dma_wait3A_257, %dma_wait3A_258] : memref<128x128xf32, #tpu.memory_space<vmem>> -> memref<128x128xf32, #tpu.memory_space<vmem>>
    %dma_wait3A_260 = arith.constant 9600 : i32
    %dma_wait3A_261 = tpu.memref_slice %arg7[%dma_wait3A_260] : memref<10000xi32, #tpu.memory_space<vmem>> -> memref<128xi32, #tpu.memory_space<vmem>>
    %dma_wait3A_262 = arith.constant 0 : i32
    %dma_wait3A_263 = arith.constant 0 : i32
    %dma_wait3A_264 = tpu.memref_slice %arg6[%dma_wait3A_262, %dma_wait3A_263] : memref<10240x128xf32, #tpu.memory_space<vmem_shared>> -> memref<10240x128xf32, #tpu.memory_space<vmem_shared>>
    tpu.wait_indirect_dma semaphore(%arg15 : memref<!tpu.dma_semaphore, #tpu.memory_space<semaphore_mem>>) src(%dma_wait3A_259 : memref<128x128xf32, #tpu.memory_space<vmem>>) dst(%dma_wait3A_264 : memref<10240x128xf32, #tpu.memory_space<vmem_shared>>)
    %add3A_265 = arith.constant 9856 : i32
    %add3A_266 = arith.addi %mul3A_2, %add3A_265 : i32
    %dma_wait3A_267 = arith.constant 0 : i32
    %dma_wait3A_268 = tpu.memref_slice %arg9[%dma_wait3A_267] : memref<128xi32, #tpu.memory_space<vmem>> -> memref<128xi32, #tpu.memory_space<vmem>>
    %dma_wait3A_269 = tpu.memref_slice %arg4[%add3A_266] : memref<320000xi32, #tpu.memory_space<hbm>> -> memref<128xi32, #tpu.memory_space<hbm>>
    %dma_wait3A_270 = arith.constant 0 : i32
    %dma_wait3A_271 = tpu.memref_slice %arg9[%dma_wait3A_270] : memref<128xi32, #tpu.memory_space<vmem>> -> memref<128xi32, #tpu.memory_space<vmem>>
    %dma_wait3A_272 = tpu.memref_slice %arg4[%add3A_266] : memref<320000xi32, #tpu.memory_space<hbm>> -> memref<128xi32, #tpu.memory_space<hbm>>
    tpu.wait_dma2 semaphore(%arg17 : memref<!tpu.dma_semaphore, #tpu.memory_space<semaphore_mem>>) src(%dma_wait3A_272 : memref<128xi32, #tpu.memory_space<hbm>>) dst(%dma_wait3A_271 : memref<128xi32, #tpu.memory_space<vmem>>)
    %dma_start3A_273 = arith.constant 0 : i32
    %dma_start3A_274 = arith.constant 0 : i32
    %dma_start3A_275 = tpu.memref_slice %arg11[%dma_start3A_273, %dma_start3A_274] : memref<128x128xf32, #tpu.memory_space<vmem>> -> memref<128x128xf32, #tpu.memory_space<vmem>>
    %dma_start3A_276 = arith.constant 0 : i32
    %dma_start3A_277 = tpu.memref_slice %arg9[%dma_start3A_276] : memref<128xi32, #tpu.memory_space<vmem>> -> memref<128xi32, #tpu.memory_space<vmem>>
    %dma_start3A_278 = arith.constant 0 : i32
    %dma_start3A_279 = arith.constant 0 : i32
    %dma_start3A_280 = tpu.memref_slice %arg2[%dma_start3A_278, %dma_start3A_279] : memref<10000x128xf32, #tpu.memory_space<hbm>> -> memref<10000x128xf32, #tpu.memory_space<hbm>>
    tpu.enqueue_indirect_dma source(%dma_start3A_280 : memref<10000x128xf32, #tpu.memory_space<hbm>>) target(%dma_start3A_275 : memref<128x128xf32, #tpu.memory_space<vmem>>) offsets(%dma_start3A_277 : memref<128xi32, #tpu.memory_space<vmem>>) semaphore(%arg13 : memref<!tpu.dma_semaphore, #tpu.memory_space<semaphore_mem>>)
    %dma_wait3A_281 = arith.constant 0 : i32
    %dma_wait3A_282 = arith.constant 0 : i32
    %dma_wait3A_283 = tpu.memref_slice %arg10[%dma_wait3A_281, %dma_wait3A_282] : memref<128x128xf32, #tpu.memory_space<vmem>> -> memref<128x128xf32, #tpu.memory_space<vmem>>
    %dma_wait3A_284 = arith.constant 0 : i32
    %dma_wait3A_285 = tpu.memref_slice %arg8[%dma_wait3A_284] : memref<128xi32, #tpu.memory_space<vmem>> -> memref<128xi32, #tpu.memory_space<vmem>>
    %dma_wait3A_286 = arith.constant 0 : i32
    %dma_wait3A_287 = arith.constant 0 : i32
    %dma_wait3A_288 = tpu.memref_slice %arg2[%dma_wait3A_286, %dma_wait3A_287] : memref<10000x128xf32, #tpu.memory_space<hbm>> -> memref<10000x128xf32, #tpu.memory_space<hbm>>
    tpu.wait_indirect_dma semaphore(%arg12 : memref<!tpu.dma_semaphore, #tpu.memory_space<semaphore_mem>>) src(%dma_wait3A_288 : memref<10000x128xf32, #tpu.memory_space<hbm>>) dst(%dma_wait3A_283 : memref<128x128xf32, #tpu.memory_space<vmem>>)
    %add3A_289 = arith.constant 9984 : i32
    %add3A_290 = arith.addi %mul3A_2, %add3A_289 : i32
    %dma_start3A_291 = arith.constant 0 : i32
    %dma_start3A_292 = tpu.memref_slice %arg8[%dma_start3A_291] : memref<128xi32, #tpu.memory_space<vmem>> -> memref<16xi32, #tpu.memory_space<vmem>>
    %dma_start3A_293 = tpu.memref_slice %arg4[%add3A_290] : memref<320000xi32, #tpu.memory_space<hbm>> -> memref<16xi32, #tpu.memory_space<hbm>>
    %dma_start3A_294 = arith.constant 0 : i32
    %dma_start3A_295 = tpu.memref_slice %arg8[%dma_start3A_294] : memref<128xi32, #tpu.memory_space<vmem>> -> memref<16xi32, #tpu.memory_space<vmem>>
    %dma_start3A_296 = tpu.memref_slice %arg4[%add3A_290] : memref<320000xi32, #tpu.memory_space<hbm>> -> memref<16xi32, #tpu.memory_space<hbm>>
    tpu.enqueue_dma source(%dma_start3A_296 : memref<16xi32, #tpu.memory_space<hbm>>) target(%dma_start3A_295 : memref<16xi32, #tpu.memory_space<vmem>>) target_semaphore(%arg16 : memref<!tpu.dma_semaphore, #tpu.memory_space<semaphore_mem>>)
    %dma_start3A_297 = arith.constant 0 : i32
    %dma_start3A_298 = arith.constant 0 : i32
    %dma_start3A_299 = tpu.memref_slice %arg10[%dma_start3A_297, %dma_start3A_298] : memref<128x128xf32, #tpu.memory_space<vmem>> -> memref<128x128xf32, #tpu.memory_space<vmem>>
    %dma_start3A_300 = arith.constant 9728 : i32
    %dma_start3A_301 = tpu.memref_slice %arg7[%dma_start3A_300] : memref<10000xi32, #tpu.memory_space<vmem>> -> memref<128xi32, #tpu.memory_space<vmem>>
    %dma_start3A_302 = arith.constant 0 : i32
    %dma_start3A_303 = arith.constant 0 : i32
    %dma_start3A_304 = tpu.memref_slice %arg6[%dma_start3A_302, %dma_start3A_303] : memref<10240x128xf32, #tpu.memory_space<vmem_shared>> -> memref<10240x128xf32, #tpu.memory_space<vmem_shared>>
    tpu.enqueue_indirect_dma source(%dma_start3A_299 : memref<128x128xf32, #tpu.memory_space<vmem>>) target(%dma_start3A_304 : memref<10240x128xf32, #tpu.memory_space<vmem_shared>>) offsets(%dma_start3A_301 : memref<128xi32, #tpu.memory_space<vmem>>) semaphore(%arg14 : memref<!tpu.dma_semaphore, #tpu.memory_space<semaphore_mem>>) {add = true}
    %dma_wait3A_305 = arith.constant 0 : i32
    %dma_wait3A_306 = arith.constant 0 : i32
    %dma_wait3A_307 = tpu.memref_slice %arg10[%dma_wait3A_305, %dma_wait3A_306] : memref<128x128xf32, #tpu.memory_space<vmem>> -> memref<128x128xf32, #tpu.memory_space<vmem>>
    %dma_wait3A_308 = arith.constant 9728 : i32
    %dma_wait3A_309 = tpu.memref_slice %arg7[%dma_wait3A_308] : memref<10000xi32, #tpu.memory_space<vmem>> -> memref<128xi32, #tpu.memory_space<vmem>>
    %dma_wait3A_310 = arith.constant 0 : i32
    %dma_wait3A_311 = arith.constant 0 : i32
    %dma_wait3A_312 = tpu.memref_slice %arg6[%dma_wait3A_310, %dma_wait3A_311] : memref<10240x128xf32, #tpu.memory_space<vmem_shared>> -> memref<10240x128xf32, #tpu.memory_space<vmem_shared>>
    tpu.wait_indirect_dma semaphore(%arg14 : memref<!tpu.dma_semaphore, #tpu.memory_space<semaphore_mem>>) src(%dma_wait3A_307 : memref<128x128xf32, #tpu.memory_space<vmem>>) dst(%dma_wait3A_312 : memref<10240x128xf32, #tpu.memory_space<vmem_shared>>)
    %add3A_313 = arith.constant 9984 : i32
    %add3A_314 = arith.addi %mul3A_2, %add3A_313 : i32
    %dma_wait3A_315 = arith.constant 0 : i32
    %dma_wait3A_316 = tpu.memref_slice %arg8[%dma_wait3A_315] : memref<128xi32, #tpu.memory_space<vmem>> -> memref<16xi32, #tpu.memory_space<vmem>>
    %dma_wait3A_317 = tpu.memref_slice %arg4[%add3A_314] : memref<320000xi32, #tpu.memory_space<hbm>> -> memref<16xi32, #tpu.memory_space<hbm>>
    %dma_wait3A_318 = arith.constant 0 : i32
    %dma_wait3A_319 = tpu.memref_slice %arg8[%dma_wait3A_318] : memref<128xi32, #tpu.memory_space<vmem>> -> memref<16xi32, #tpu.memory_space<vmem>>
    %dma_wait3A_320 = tpu.memref_slice %arg4[%add3A_314] : memref<320000xi32, #tpu.memory_space<hbm>> -> memref<16xi32, #tpu.memory_space<hbm>>
    tpu.wait_dma2 semaphore(%arg16 : memref<!tpu.dma_semaphore, #tpu.memory_space<semaphore_mem>>) src(%dma_wait3A_320 : memref<16xi32, #tpu.memory_space<hbm>>) dst(%dma_wait3A_319 : memref<16xi32, #tpu.memory_space<vmem>>)
    %dma_start3A_321 = arith.constant 0 : i32
    %dma_start3A_322 = arith.constant 0 : i32
    %dma_start3A_323 = tpu.memref_slice %arg10[%dma_start3A_321, %dma_start3A_322] : memref<128x128xf32, #tpu.memory_space<vmem>> -> memref<16x128xf32, #tpu.memory_space<vmem>>
    %dma_start3A_324 = arith.constant 0 : i32
    %dma_start3A_325 = tpu.memref_slice %arg8[%dma_start3A_324] : memref<128xi32, #tpu.memory_space<vmem>> -> memref<16xi32, #tpu.memory_space<vmem>>
    %dma_start3A_326 = arith.constant 0 : i32
    %dma_start3A_327 = arith.constant 0 : i32
    %dma_start3A_328 = tpu.memref_slice %arg2[%dma_start3A_326, %dma_start3A_327] : memref<10000x128xf32, #tpu.memory_space<hbm>> -> memref<10000x128xf32, #tpu.memory_space<hbm>>
    tpu.enqueue_indirect_dma source(%dma_start3A_328 : memref<10000x128xf32, #tpu.memory_space<hbm>>) target(%dma_start3A_323 : memref<16x128xf32, #tpu.memory_space<vmem>>) offsets(%dma_start3A_325 : memref<16xi32, #tpu.memory_space<vmem>>) semaphore(%arg12 : memref<!tpu.dma_semaphore, #tpu.memory_space<semaphore_mem>>)
    %dma_wait3A_329 = arith.constant 0 : i32
    %dma_wait3A_330 = arith.constant 0 : i32
    %dma_wait3A_331 = tpu.memref_slice %arg11[%dma_wait3A_329, %dma_wait3A_330] : memref<128x128xf32, #tpu.memory_space<vmem>> -> memref<128x128xf32, #tpu.memory_space<vmem>>
    %dma_wait3A_332 = arith.constant 0 : i32
    %dma_wait3A_333 = tpu.memref_slice %arg9[%dma_wait3A_332] : memref<128xi32, #tpu.memory_space<vmem>> -> memref<128xi32, #tpu.memory_space<vmem>>
    %dma_wait3A_334 = arith.constant 0 : i32
    %dma_wait3A_335 = arith.constant 0 : i32
    %dma_wait3A_336 = tpu.memref_slice %arg2[%dma_wait3A_334, %dma_wait3A_335] : memref<10000x128xf32, #tpu.memory_space<hbm>> -> memref<10000x128xf32, #tpu.memory_space<hbm>>
    tpu.wait_indirect_dma semaphore(%arg13 : memref<!tpu.dma_semaphore, #tpu.memory_space<semaphore_mem>>) src(%dma_wait3A_336 : memref<10000x128xf32, #tpu.memory_space<hbm>>) dst(%dma_wait3A_331 : memref<128x128xf32, #tpu.memory_space<vmem>>)
    %dma_start3A_337 = arith.constant 0 : i32
    %dma_start3A_338 = arith.constant 0 : i32
    %dma_start3A_339 = tpu.memref_slice %arg11[%dma_start3A_337, %dma_start3A_338] : memref<128x128xf32, #tpu.memory_space<vmem>> -> memref<128x128xf32, #tpu.memory_space<vmem>>
    %dma_start3A_340 = arith.constant 9856 : i32
    %dma_start3A_341 = tpu.memref_slice %arg7[%dma_start3A_340] : memref<10000xi32, #tpu.memory_space<vmem>> -> memref<128xi32, #tpu.memory_space<vmem>>
    %dma_start3A_342 = arith.constant 0 : i32
    %dma_start3A_343 = arith.constant 0 : i32
    %dma_start3A_344 = tpu.memref_slice %arg6[%dma_start3A_342, %dma_start3A_343] : memref<10240x128xf32, #tpu.memory_space<vmem_shared>> -> memref<10240x128xf32, #tpu.memory_space<vmem_shared>>
    tpu.enqueue_indirect_dma source(%dma_start3A_339 : memref<128x128xf32, #tpu.memory_space<vmem>>) target(%dma_start3A_344 : memref<10240x128xf32, #tpu.memory_space<vmem_shared>>) offsets(%dma_start3A_341 : memref<128xi32, #tpu.memory_space<vmem>>) semaphore(%arg15 : memref<!tpu.dma_semaphore, #tpu.memory_space<semaphore_mem>>) {add = true}
    %dma_wait3A_345 = arith.constant 0 : i32
    %dma_wait3A_346 = arith.constant 0 : i32
    %dma_wait3A_347 = tpu.memref_slice %arg10[%dma_wait3A_345, %dma_wait3A_346] : memref<128x128xf32, #tpu.memory_space<vmem>> -> memref<16x128xf32, #tpu.memory_space<vmem>>
    %dma_wait3A_348 = arith.constant 0 : i32
    %dma_wait3A_349 = tpu.memref_slice %arg8[%dma_wait3A_348] : memref<128xi32, #tpu.memory_space<vmem>> -> memref<16xi32, #tpu.memory_space<vmem>>
    %dma_wait3A_350 = arith.constant 0 : i32
    %dma_wait3A_351 = arith.constant 0 : i32
    %dma_wait3A_352 = tpu.memref_slice %arg2[%dma_wait3A_350, %dma_wait3A_351] : memref<10000x128xf32, #tpu.memory_space<hbm>> -> memref<10000x128xf32, #tpu.memory_space<hbm>>
    tpu.wait_indirect_dma semaphore(%arg12 : memref<!tpu.dma_semaphore, #tpu.memory_space<semaphore_mem>>) src(%dma_wait3A_352 : memref<10000x128xf32, #tpu.memory_space<hbm>>) dst(%dma_wait3A_347 : memref<16x128xf32, #tpu.memory_space<vmem>>)
    %dma_start3A_353 = arith.constant 0 : i32
    %dma_start3A_354 = arith.constant 0 : i32
    %dma_start3A_355 = tpu.memref_slice %arg10[%dma_start3A_353, %dma_start3A_354] : memref<128x128xf32, #tpu.memory_space<vmem>> -> memref<16x128xf32, #tpu.memory_space<vmem>>
    %dma_start3A_356 = arith.constant 9984 : i32
    %dma_start3A_357 = tpu.memref_slice %arg7[%dma_start3A_356] : memref<10000xi32, #tpu.memory_space<vmem>> -> memref<16xi32, #tpu.memory_space<vmem>>
    %dma_start3A_358 = arith.constant 0 : i32
    %dma_start3A_359 = arith.constant 0 : i32
    %dma_start3A_360 = tpu.memref_slice %arg6[%dma_start3A_358, %dma_start3A_359] : memref<10240x128xf32, #tpu.memory_space<vmem_shared>> -> memref<10240x128xf32, #tpu.memory_space<vmem_shared>>
    tpu.enqueue_indirect_dma source(%dma_start3A_355 : memref<16x128xf32, #tpu.memory_space<vmem>>) target(%dma_start3A_360 : memref<10240x128xf32, #tpu.memory_space<vmem_shared>>) offsets(%dma_start3A_357 : memref<16xi32, #tpu.memory_space<vmem>>) semaphore(%arg14 : memref<!tpu.dma_semaphore, #tpu.memory_space<semaphore_mem>>) {add = true}
    %dma_wait3A_361 = arith.constant 0 : i32
    %dma_wait3A_362 = arith.constant 0 : i32
    %dma_wait3A_363 = tpu.memref_slice %arg11[%dma_wait3A_361, %dma_wait3A_362] : memref<128x128xf32, #tpu.memory_space<vmem>> -> memref<128x128xf32, #tpu.memory_space<vmem>>
    %dma_wait3A_364 = arith.constant 9856 : i32
    %dma_wait3A_365 = tpu.memref_slice %arg7[%dma_wait3A_364] : memref<10000xi32, #tpu.memory_space<vmem>> -> memref<128xi32, #tpu.memory_space<vmem>>
    %dma_wait3A_366 = arith.constant 0 : i32
    %dma_wait3A_367 = arith.constant 0 : i32
    %dma_wait3A_368 = tpu.memref_slice %arg6[%dma_wait3A_366, %dma_wait3A_367] : memref<10240x128xf32, #tpu.memory_space<vmem_shared>> -> memref<10240x128xf32, #tpu.memory_space<vmem_shared>>
    tpu.wait_indirect_dma semaphore(%arg15 : memref<!tpu.dma_semaphore, #tpu.memory_space<semaphore_mem>>) src(%dma_wait3A_363 : memref<128x128xf32, #tpu.memory_space<vmem>>) dst(%dma_wait3A_368 : memref<10240x128xf32, #tpu.memory_space<vmem_shared>>)
    %dma_wait3A_369 = arith.constant 0 : i32
    %dma_wait3A_370 = arith.constant 0 : i32
    %dma_wait3A_371 = tpu.memref_slice %arg10[%dma_wait3A_369, %dma_wait3A_370] : memref<128x128xf32, #tpu.memory_space<vmem>> -> memref<16x128xf32, #tpu.memory_space<vmem>>
    %dma_wait3A_372 = arith.constant 9984 : i32
    %dma_wait3A_373 = tpu.memref_slice %arg7[%dma_wait3A_372] : memref<10000xi32, #tpu.memory_space<vmem>> -> memref<16xi32, #tpu.memory_space<vmem>>
    %dma_wait3A_374 = arith.constant 0 : i32
    %dma_wait3A_375 = arith.constant 0 : i32
    %dma_wait3A_376 = tpu.memref_slice %arg6[%dma_wait3A_374, %dma_wait3A_375] : memref<10240x128xf32, #tpu.memory_space<vmem_shared>> -> memref<10240x128xf32, #tpu.memory_space<vmem_shared>>
    tpu.wait_indirect_dma semaphore(%arg14 : memref<!tpu.dma_semaphore, #tpu.memory_space<semaphore_mem>>) src(%dma_wait3A_371 : memref<16x128xf32, #tpu.memory_space<vmem>>) dst(%dma_wait3A_376 : memref<10240x128xf32, #tpu.memory_space<vmem_shared>>)
    %barrier3A_377 = arith.constant 0 : index
    tpu.barrier barrier_id(%barrier3A_377)
    "tpu.region"() ({
      %run_scoped3A = tpu.sem_alloc : memref<!tpu.dma_semaphore, #tpu.memory_space<semaphore_mem>>
      %dma_start3A_378 = arith.constant 0 : i32
      %dma_start3A_379 = tpu.memref_slice %arg5[%arg0, %mul3A_4, %dma_start3A_378] : memref<2x10240x128xf32, #tpu.memory_space<hbm>> -> memref<1x640x128xf32, #tpu.memory_space<hbm>>
      %dma_start3A_380 = tpu.memref_squeeze %dma_start3A_379 : memref<1x640x128xf32, #tpu.memory_space<hbm>> -> memref<640x128xf32, #tpu.memory_space<hbm>>
      %dma_start3A_381 = arith.constant 0 : i32
      %dma_start3A_382 = tpu.memref_slice %arg6[%mul3A_4, %dma_start3A_381] : memref<10240x128xf32, #tpu.memory_space<vmem_shared>> -> memref<640x128xf32, #tpu.memory_space<vmem_shared>>
      tpu.enqueue_dma source(%dma_start3A_382 : memref<640x128xf32, #tpu.memory_space<vmem_shared>>) target(%dma_start3A_380 : memref<640x128xf32, #tpu.memory_space<hbm>>) target_semaphore(%run_scoped3A : memref<!tpu.dma_semaphore, #tpu.memory_space<semaphore_mem>>)
      %dma_wait3A_383 = arith.constant 0 : i32
      %dma_wait3A_384 = tpu.memref_slice %arg5[%arg0, %mul3A_4, %dma_wait3A_383] : memref<2x10240x128xf32, #tpu.memory_space<hbm>> -> memref<1x640x128xf32, #tpu.memory_space<hbm>>
      %dma_wait3A_385 = tpu.memref_squeeze %dma_wait3A_384 : memref<1x640x128xf32, #tpu.memory_space<hbm>> -> memref<640x128xf32, #tpu.memory_space<hbm>>
      %dma_wait3A_386 = arith.constant 0 : i32
      %dma_wait3A_387 = tpu.memref_slice %arg6[%mul3A_4, %dma_wait3A_386] : memref<10240x128xf32, #tpu.memory_space<vmem_shared>> -> memref<640x128xf32, #tpu.memory_space<vmem_shared>>
      tpu.wait_dma2 semaphore(%run_scoped3A : memref<!tpu.dma_semaphore, #tpu.memory_space<semaphore_mem>>) src(%dma_wait3A_387 : memref<640x128xf32, #tpu.memory_space<vmem_shared>>) dst(%dma_wait3A_385 : memref<640x128xf32, #tpu.memory_space<hbm>>)
      tpu.yield
    }) : () -> ()
    return
  }
}

module attributes {stable_mosaic.version = 14 : i64} {
  func.func @_final_body(%arg0: i32, %arg1: memref<2000x128xf32, #tpu.memory_space<vmem>>, %arg2: memref<2000x128xf32, #tpu.memory_space<vmem>>, %arg3: memref<2000x128xf32, #tpu.memory_space<vmem>>, %arg4: memref<1x128xf32, #tpu.memory_space<vmem>>, %arg5: memref<2000x128xf32, #tpu.memory_space<vmem>>) attributes {dimension_semantics = [#tpu.dimension_semantics<arbitrary>], iteration_bounds = array<i64: 5>, scalar_prefetch = 0 : i64, scratch_operands = 0 : i64, tpu.core_type = #tpu.core_type<tc>, window_params = [{transform_indices = @transform_0, window_bounds = array<i64: 2000, 128>}, {transform_indices = @transform_1, window_bounds = array<i64: 2000, 128>}, {transform_indices = @transform_2, window_bounds = array<i64: 2000, 128>}, {pipeline_mode = #tpu.pipeline_mode<synchronous>, transform_indices = @transform_3, window_bounds = array<i64: 1, 128>}, {transform_indices = @transform_4, window_bounds = array<i64: 2000, 128>}]} {
    %get3A = arith.constant 0 : index
    %get3A_0 = arith.constant 0 : index
    %get3A_1 = vector.load %arg1[%get3A, %get3A_0] : memref<2000x128xf32, #tpu.memory_space<vmem>>, vector<2000x128xf32>
    %get3A_2 = arith.constant 0 : index
    %get3A_3 = arith.constant 0 : index
    %get3A_4 = vector.load %arg2[%get3A_2, %get3A_3] : memref<2000x128xf32, #tpu.memory_space<vmem>>, vector<2000x128xf32>
    %add3A = arith.addf %get3A_1, %get3A_4 : vector<2000x128xf32>
    %get3A_5 = arith.constant 0 : index
    %get3A_6 = arith.constant 0 : index
    %get3A_7 = vector.load %arg3[%get3A_5, %get3A_6] : memref<2000x128xf32, #tpu.memory_space<vmem>>, vector<2000x128xf32>
    %add3A_8 = arith.addf %add3A, %get3A_7 : vector<2000x128xf32>
    %get3A_9 = arith.constant 0 : index
    %get3A_10 = arith.constant 0 : index
    %get3A_11 = vector.load %arg4[%get3A_9, %get3A_10] : memref<1x128xf32, #tpu.memory_space<vmem>>, vector<1x128xf32>
    %add3A_12 = vector.broadcast %get3A_11 : vector<1x128xf32> to vector<2000x128xf32>
    %add3A_13 = arith.addf %add3A_8, %add3A_12 : vector<2000x128xf32>
    %gt3A = arith.constant 0.000000e+00 : f32
    %gt3A_14 = vector.broadcast %gt3A : f32 to vector<2000x128xf32>
    %gt3A_15 = arith.cmpf ogt, %add3A_13, %gt3A_14 : vector<2000x128xf32>
    %exp3A = math.exp %add3A_13 : vector<2000x128xf32>
    %sub3A = arith.constant 1.000000e+00 : f32
    %sub3A_16 = vector.broadcast %sub3A : f32 to vector<2000x128xf32>
    %sub3A_17 = arith.subf %exp3A, %sub3A_16 : vector<2000x128xf32>
    %mul3A = arith.constant 1.67326319 : f32
    %mul3A_18 = vector.broadcast %mul3A : f32 to vector<2000x128xf32>
    %mul3A_19 = arith.mulf %mul3A_18, %sub3A_17 : vector<2000x128xf32>
    %select_n3A = arith.select %gt3A_15, %add3A_13, %mul3A_19 : vector<2000x128xi1>, vector<2000x128xf32>
    %mul3A_20 = arith.constant 1.05070102 : f32
    %mul3A_21 = vector.broadcast %mul3A_20 : f32 to vector<2000x128xf32>
    %mul3A_22 = arith.mulf %mul3A_21, %select_n3A : vector<2000x128xf32>
    %swap3A = arith.constant 0 : index
    %swap3A_23 = arith.constant 0 : index
    %swap3A_24 = vector.load %arg5[%swap3A, %swap3A_23] : memref<2000x128xf32, #tpu.memory_space<vmem>>, vector<2000x128xf32>
    tpu.vector_store %arg5[%swap3A, %swap3A_23], %mul3A_22 {strides = array<i32>} : memref<2000x128xf32, #tpu.memory_space<vmem>>, vector<2000x128xf32>,
    return
  }
  func.func @transform_0(%arg0: i32) -> (i32, i32) {
    %c0_i32 = arith.constant 0 : i32
    %c0_i32_0 = arith.constant 0 : i32
    return %arg0, %c0_i32 : i32, i32
  }
  func.func @transform_1(%arg0: i32) -> (i32, i32) {
    %c0_i32 = arith.constant 0 : i32
    %c0_i32_0 = arith.constant 0 : i32
    return %arg0, %c0_i32 : i32, i32
  }
  func.func @transform_2(%arg0: i32) -> (i32, i32) {
    %c0_i32 = arith.constant 0 : i32
    %c0_i32_0 = arith.constant 0 : i32
    return %arg0, %c0_i32 : i32, i32
  }
  func.func @transform_3(%arg0: i32) -> (i32, i32) {
    %c0_i32 = arith.constant 0 : i32
    %c0_i32_0 = arith.constant 0 : i32
    %c0_i32_1 = arith.constant 0 : i32
    return %c0_i32, %c0_i32_0 : i32, i32
  }
  func.func @transform_4(%arg0: i32) -> (i32, i32) {
    %c0_i32 = arith.constant 0 : i32
    %c0_i32_0 = arith.constant 0 : i32
    return %arg0, %c0_i32 : i32, i32
  }
}

module attributes {stable_mosaic.version = 14 : i64} {
  func.func @_proj_body(%arg0: i32, %arg1: memref<2000x128xf32, #tpu.memory_space<vmem>>, %arg2: memref<128x128xf32, #tpu.memory_space<vmem>>, %arg3: memref<1x128xf32, #tpu.memory_space<vmem>>, %arg4: memref<2000x128xf32, #tpu.memory_space<vmem>>) attributes {dimension_semantics = [#tpu.dimension_semantics<arbitrary>], iteration_bounds = array<i64: 5>, scalar_prefetch = 0 : i64, scratch_operands = 0 : i64, tpu.core_type = #tpu.core_type<tc>, window_params = [{transform_indices = @transform_0, window_bounds = array<i64: 2000, 128>}, {pipeline_mode = #tpu.pipeline_mode<synchronous>, transform_indices = @transform_1, window_bounds = array<i64: 128, 128>}, {pipeline_mode = #tpu.pipeline_mode<synchronous>, transform_indices = @transform_2, window_bounds = array<i64: 1, 128>}, {transform_indices = @transform_3, window_bounds = array<i64: 2000, 128>}]} {
    %get3A = arith.constant 0 : index
    %get3A_0 = arith.constant 0 : index
    %get3A_1 = vector.load %arg1[%get3A, %get3A_0] : memref<2000x128xf32, #tpu.memory_space<vmem>>, vector<2000x128xf32>
    %get3A_2 = arith.constant 0 : index
    %get3A_3 = arith.constant 0 : index
    %get3A_4 = vector.load %arg2[%get3A_2, %get3A_3] : memref<128x128xf32, #tpu.memory_space<vmem>>, vector<128x128xf32>
    %dot_general3A = arith.constant dense<0.000000e+00> : vector<2000x128xf32>
    %dot_general3A_5 = tpu.matmul %get3A_1, %get3A_4, %dot_general3A {dimension_numbers = #tpu.dot_dimension_numbers<[1], [0], [0], [1], [0, 0, 1, 1], [], []>, transpose_lhs_hint = false} : vector<2000x128xf32>, vector<128x128xf32>, vector<2000x128xf32> -> vector<2000x128xf32>
    %get3A_6 = arith.constant 0 : index
    %get3A_7 = arith.constant 0 : index
    %get3A_8 = vector.load %arg3[%get3A_6, %get3A_7] : memref<1x128xf32, #tpu.memory_space<vmem>>, vector<1x128xf32>
    %mul3A = vector.broadcast %get3A_8 : vector<1x128xf32> to vector<2000x128xf32>
    %mul3A_9 = arith.mulf %dot_general3A_5, %mul3A : vector<2000x128xf32>
    %swap3A = arith.constant 0 : index
    %swap3A_10 = arith.constant 0 : index
    %swap3A_11 = vector.load %arg4[%swap3A, %swap3A_10] : memref<2000x128xf32, #tpu.memory_space<vmem>>, vector<2000x128xf32>
    tpu.vector_store %arg4[%swap3A, %swap3A_10], %mul3A_9 {strides = array<i32>} : memref<2000x128xf32, #tpu.memory_space<vmem>>, vector<2000x128xf32>,
    return
  }
  func.func @transform_0(%arg0: i32) -> (i32, i32) {
    %c0_i32 = arith.constant 0 : i32
    %c0_i32_0 = arith.constant 0 : i32
    return %arg0, %c0_i32 : i32, i32
  }
  func.func @transform_1(%arg0: i32) -> (i32, i32) {
    %c0_i32 = arith.constant 0 : i32
    %c0_i32_0 = arith.constant 0 : i32
    %c0_i32_1 = arith.constant 0 : i32
    return %c0_i32, %c0_i32_0 : i32, i32
  }
  func.func @transform_2(%arg0: i32) -> (i32, i32) {
    %c0_i32 = arith.constant 0 : i32
    %c0_i32_0 = arith.constant 0 : i32
    %c0_i32_1 = arith.constant 0 : i32
    return %c0_i32, %c0_i32_0 : i32, i32
  }
  func.func @transform_3(%arg0: i32) -> (i32, i32) {
    %c0_i32 = arith.constant 0 : i32
    %c0_i32_0 = arith.constant 0 : i32
    return %arg0, %c0_i32 : i32, i32
  }
}

</mosaic_0001>

<sc_bundles>
// kernel: kernel.6.cloned.1.call-start
scs
__scs_entry_jumppad:
0x0: {  	(pc) =	sbr.rel $0x88, $3  }
0x1: {  	(tag) =	ssettag $0x0;
	lr =	simm.s32 $0x1  }
0x2: {  	[smem:$0x3F9C] =	sst lr;
	_ =	strace $0xD0000000  }
0x3: {  	_ = 	snop  }
0x4: {  	_ = 	snop  }
0x5: {  	_ = 	snop  }
0x6: {  	_ = 	snop  }
0x7: {  	_ = 	snop  }
__scs_overlays_trampoline_lowered:
0x8: {  	[smem:$0x3FAB] =	sst s0  }
0x9: {  	[smem:$0x3FAC] =	sst s1  }
0xa: {  	[smem:$0x3FAD] =	sst s2  }
0xb: {  	[smem:$0x3FAE] =	sst s3  }
0xc: {  	[smem:$0x3FAF] =	sst s4  }
0xd: {  	[smem:$0x3FB0] =	sst s5  }
0xe: {  	[smem:$0x3FB1] =	sst s6  }
0xf: {  	[smem:$0x3FB2] =	sst s7  }
0x10: {  	[smem:$0x3FB3] =	sst s8  }
0x11: {  	[smem:$0x3FB4] =	sst s9;
	s0 =	simm.s32 @!p0 $0x0  }
0x12: {  	s1 =	sld [smem:$0x3F9A];
	s0 =	simm.s32 @p0 $0x1  }
0x13: {  	[smem:$0x3FB5] =	sst s0;
	s0 =	simm.s32 @!p1 $0x0  }
0x14: {  	s2 =	sld [smem:$0x3F99];
	s0 =	simm.s32 @p1 $0x1  }
0x15: {  	[smem:$0x3FB6] =	sst s0;
	s0 =	simm.s32 @!p2 $0x0  }
0x16: {  	s3 =	sld [smem:$0x3FDB];
	s0 =	simm.s32 @p2 $0x1  }
0x17: {  	s4 =	simm.s32 $0x1BF5;
	[smem:$0x3FB8] =	sst s0  }
0x18: {  	s0 =	sld [smem:$0x3F9B];
	_ =	swait.ge [sflag:s4], $0x0  }
0x19: {  	s7 =	sld [smem:$0x3F9C]  }
0x1a: {  	s8 =	sadd.s32 $0xFFFFE003, lr  }
0x1b: {  	s9 =	sadd.s32 $0xFFFFFEF7, lr;
	s5 =	simm.s32 $0xFFFFFFFF;
	p2 =	slt.u32 s8, $0xFFFFF086  }
0x1c: {  	p1 =	slt.u32 s9, $0xF7A;
	s5 =	simm.s32 @!p2 $0x0  }
0x1d: {  	s5 =	simm.s32 @p1 $0x1;
	p0 =	seq.s32 s7, s2  }
0x1e: {  	s7 =	smul.u32 @!p0 $0xF7A, s2;
	p2 =	seq.s32 @!p0 s5, $0x0  }
0x1f: {  	s9 =	smul.u32 $0xF7A, s1;
	s8 =	simm.s32 @!p0 $0x1BF5;
	p2 =	por !p2, p0  }
0x20: {  	[sflag:s8] =	ssyncset.s32 @!p0 $0xFFFFF086;
	s6 =	sadd.s32 @!p0 s3, s7;
	s7 =	simm.s32 @!p0 $0x108  }
0x21: {  	s3 =	sadd.s32 s3, s9;
	s6 =	sadd.s32 @!p0 $0x88, s6;
	s7 =	simm.s32 @p2 $0x1082  }
0x22: {  	[simem:s7], [sflag:s8] =	dma.local @!p0 [hbm:s6], $0xF7A  }
0x23: {  	s9 =	sor.u32 $0xD0000000, s2;
	s6 =	simm.s32 $0x108;
	_ =	swait.ge @!p0 [sflag:s8], $0x0  }
0x24: {  	s3 =	sadd.s32 $0x88, s3;
	s6 =	simm.s32 @!p1 $0x1082;
	[sflag:s4] =	ssyncset.s32 $0xFFFFF086  }
0x25: {  	[simem:s6], [sflag:s4] =	dma.local [hbm:s3], $0xF7A  }
0x26: {  	[smem:$0x3F9C] =	sst s1;
	(tag) =	ssettag s2;
	_ =	strace s9  }
0x27: {  	s1 =	sld [smem:$0x3FAC]  }
0x28: {  	s2 =	sld [smem:$0x3FAD]  }
0x29: {  	s4 =	sld [smem:$0x3FAF]  }
0x2a: {  	p0 =	seq.s32 s5, $0x0;
	s5 =	sld [smem:$0x3FB0]  }
0x2b: {  	s6 =	sld [smem:$0x3FB1]  }
0x2c: {  	s7 =	sld [smem:$0x3FB2]  }
0x2d: {  	s3 =	simm.s32 $0x108;
	s8 =	sld [smem:$0x3FB3]  }
0x2e: {  	s3 =	simm.s32 @!p0 $0x1082;
	s9 =	sld [smem:$0x3FB4]  }
0x2f: {  	lr =	sadd.s32 s0, s3;
	s0 =	sld [smem:$0x3FAB]  }
0x30: {  	s3 =	sld [smem:$0x3FAE]  }
0x31: {  	[smem:$0x3FB7] =	sst s10  }
0x32: {  	s10 =	sld [smem:$0x3FB5];
	_ =	sdelay $0x3  }
0x33: {  	p0 =	seq.s32 s10, $0x1;
	s10 =	sld [smem:$0x3FB7];
	_ =	sdelay $0x3  }
0x34: {  	[smem:$0x3FB7] =	sst s10  }
0x35: {  	s10 =	sld [smem:$0x3FB6];
	_ =	sdelay $0x3  }
0x36: {  	p1 =	seq.s32 s10, $0x1;
	s10 =	sld [smem:$0x3FB7];
	_ =	sdelay $0x3  }
0x37: {  	[smem:$0x3FB7] =	sst s10  }
0x38: {  	s10 =	sld [smem:$0x3FB8]  }
0x39: {  	_ = 	snop;
	(pc) =	sbr.ind lr, $3  }
0x3a: {  	_ = 	snop  }
0x3b: {  	_ = 	snop  }
0x3c: {  	p2 =	seq.s32 s10, $0x1;
	s10 =	sld [smem:$0x3FB7]  }
0x3d: {  	_ =	shalt  }
0x3e: {  	_ =	shalt  }
0x3f: {  	_ =	shalt  }
0x40: {  	_ =	shalt  }
0x41: {  	_ =	shalt  }
0x42: {  	_ =	shalt  }
0x43: {  	_ =	shalt  }
0x44: {  	_ =	shalt  }
0x45: {  	_ =	shalt  }
0x46: {  	_ =	shalt  }
0x47: {  	_ =	shalt  }
0x48: {  	_ =	shalt  }
0x49: {  	_ =	shalt  }
0x4a: {  	_ =	shalt  }
0x4b: {  	_ =	shalt  }
0x4c: {  	_ =	shalt  }
0x4d: {  	_ =	shalt  }
0x4e: {  	_ =	shalt  }
0x4f: {  	_ =	shalt  }
0x50: {  	_ =	shalt  }
0x51: {  	_ =	shalt  }
0x52: {  	_ =	shalt  }
0x53: {  	_ =	shalt  }
0x54: {  	_ =	shalt  }
0x55: {  	_ =	shalt  }
0x56: {  	_ =	shalt  }
0x57: {  	_ =	shalt  }
0x58: {  	_ =	shalt  }
0x59: {  	_ =	shalt  }
0x5a: {  	_ =	shalt  }
0x5b: {  	_ =	shalt  }
0x5c: {  	_ =	shalt  }
0x5d: {  	_ =	shalt  }
0x5e: {  	_ =	shalt  }
0x5f: {  	_ =	shalt  }
0x60: {  	_ =	shalt  }
0x61: {  	_ =	shalt  }
0x62: {  	_ =	shalt  }
0x63: {  	_ =	shalt  }
0x64: {  	_ =	shalt  }
0x65: {  	_ =	shalt  }
0x66: {  	_ =	shalt  }
0x67: {  	_ =	shalt  }
0x68: {  	_ =	shalt  }
0x69: {  	_ =	shalt  }
0x6a: {  	_ =	shalt  }
0x6b: {  	_ =	shalt  }
0x6c: {  	_ =	shalt  }
0x6d: {  	_ =	shalt  }
0x6e: {  	_ =	shalt  }
0x6f: {  	_ =	shalt  }
0x70: {  	_ =	shalt  }
0x71: {  	_ =	shalt  }
0x72: {  	_ =	shalt  }
0x73: {  	_ =	shalt  }
0x74: {  	_ =	shalt  }
0x75: {  	_ =	shalt  }
0x76: {  	_ =	shalt  }
0x77: {  	_ =	shalt  }
0x78: {  	_ =	shalt  }
0x79: {  	_ =	shalt  }
0x7a: {  	_ =	shalt  }
0x7b: {  	_ =	shalt  }
0x7c: {  	_ =	shalt  }
0x7d: {  	_ =	shalt  }
0x7e: {  	_ =	shalt  }
0x7f: {  	_ =	shalt  }
0x80: {  	_ =	shalt  }
0x81: {  	_ =	shalt  }
0x82: {  	_ =	shalt  }
0x83: {  	_ =	shalt  }
0x84: {  	_ =	shalt  }
0x85: {  	_ =	shalt  }
0x86: {  	_ =	shalt  }
0x87: {  	_ =	shalt  }
.Lfunc_end0:
.L_simem_size_0:
called_computation_lowered:
.L_overlay_start_0:
0x88: {  	s2 =	sld [smem:$0x3FD9]  }
0x89: {  	s3 =	sld [smem:$0x3FFE];
	_ =	sdelay $0x1  }
0x8a: {  	s1 =	srdreg.scid  }
0x8b: {  	s0 =	sand.u32 $0x1, s1  }
0x8c: {  	s17 =	sshll.u32 s0, $0xA;
	s2 =	sadd.s32 s3, s2  }
0x8d: {  	s2 =	sadd.s32 s2, s17  }
0x8e: {  	[smem:$0x3FC3] =	sst s2  }
0x8f: {  	_ = 	snop  }
0x90: {  	s2 =	sld [smem:$0x3FD0];
	(tm) =	ssettm $0x1  }
0x91: {  	s18 =	sld [smem:$0x3FFB];
	_ =	sdelay $0x3  }
0x92: {  	_ =	strace s18  }
0x93: {  	s3 =	sld [smem:$0x3FFC];
	_ =	sdelay $0x3  }
0x94: {  	_ =	strace s3  }
0x95: {  	s3 =	sld [smem:$0x3FFD];
	_ =	sdelay $0x3  }
0x96: {  	_ =	strace s3  }
0x97: {  	_ =	strace $0x8FFFFFFF  }
0x98: {  	s19 =	sld [smem:$0x3FDB];
	_ =	sdelay $0x1  }
0x99: {  	s4 =	simm.s32 $_scs_section_size  }
0x9a: {  	s5 =	simm.s32 $_size__tile_overlayer_lowered;
	s6 =	simm.s32 $_tile_overlayer_lowered  }
0x9b: {  	s22 =	simm.s32 $0x1BFF;
	s21 =	sshll.u32 s6, $0x1;
	s3 =	sadd.s32 s4, s19  }
0x9c: {  	s7 =	simm.s32 $0x0;
	s20 =	sshll.u32 s5, $0x1;
	s5 =	sadd.s32 s21, s3  }
0x9d: {  	[timem:s7], [sflag:s22] =	dma.local [hbm:s5], s20  }
0x9e: {  	_ =	swait.ge [sflag:s22], s20  }
0x9f: {  	s4 =	ssub.s32 $0x0, s20;
	[sflag:s22] =	ssyncset.done $0x0  }
0xa0: {  	[sflag:s22] =	ssyncadd.s32 s4;
	_ =	sdelay $0x1  }
0xa1: {  	s23 =	simm.s32 $0x1B8B  }
0xa2: {  	_ =	swait.ge [sflag:s23], $0x1  }
0xa3: {  	[sflag:s23] =	ssyncset.done $0x0  }
0xa4: {  	s25 =	simm.s32 $0x1B8E;
	s24 =	sld [smem:$0x3FFE];
	[sflag:s23] =	ssyncadd.s32 $0xFFFFFFFF  }
0xa5: {  	s26 =	simm.s32 $execute0_lowered;
	[smem:$0x3FD2] =	sst s25  }
0xa6: {  	s5 =	sshll.u32 s26, $0x1;
	_ =	strace $0x80000046;
	[dreg:$0x1] =	wrdreg $0xFFFFFFFF  }
0xa7: {  	s28 =	simm.s32 $_size_execute0_lowered;
	s3 =	sadd.s32 s3, s5;
	[dreg:$0x0] =	wrdreg $0x0  }
0xa8: {  	s5 =	sshll.u32 s28, $0x1;
	[dreg:$0x2] =	wrdreg s3  }
0xa9: {  	[dreg:$0x3] =	wrdreg s5  }
0xaa: {  	[dreg:$0x4] =	wrdreg $0xC0  }
0xab: {  	_ =	task [dreg:s7], $0x5FFFF  }
0xac: {  	[dreg:$0x1] =	wrdreg $0xFFFFFFFF  }
0xad: {  	[dreg:$0x0] =	wrdreg $0x60  }
0xae: {  	[dreg:$0x2] =	wrdreg s2  }
0xaf: {  	[dreg:$0x3] =	wrdreg s24  }
0xb0: {  	[dreg:$0x4] =	wrdreg $0x0  }
0xb1: {  	[dreg:$0x5] =	wrdreg $0x9  }
0xb2: {  	_ =	task.clear_ibuf [dreg:s7], $0x6FFFF;
	_ =	strace $0x90000046  }
0xb3: {  	s29 =	simm.s32 $0x9;
	_ =	strace $0x80000048  }
0xb4: {  	_ =	swait.ge [sflag:s29], $0x1  }
0xb5: {  	[sflag:s29] =	ssyncadd.s32 $0xFFFFFFFF  }
0xb6: {  	_ =	strace $0x90000048  }
0xb7: {  	_ =	sfence  }
0xb8: {  	s30 =	sld [smem:$0x0];
	_ =	sdelay $0x2  }
0xb9: {  	s31 =	sshll.u32 s1, $0xD;
	s1 =	sshrl.u32 s1, $0x2  }
0xba: {  	s3 =	sand.u32 $0x4000, s31;
	s1 =	sadd.s32 s1, s30  }
0xbb: {  	s0 =	sor.u32 s3, s0;
	s1 =	sshll.u32 s1, $0x11  }
0xbc: {  	s0 =	sor.u32 s1, s0  }
0xbd: {  	s0 =	sadd.s32 $0x8F2B, s0  }
0xbe: {  	[sflag:s0] =	ssyncadd.remote.s32 $0x1  }
0xbf: {  	_ =	sfence.sel $0xFFFF  }
0xc0: {  	[dreg:$0x0] =	wrdreg $0xFFFFFFFF;
	(pc) =	sbr.abs _section_cstart, $3  }
0xc1: {  	[dreg:$0x1] =	wrdreg $0xFFFFFFFF  }
0xc2: {  	_ =	task.clear_ibuf [dreg:s7], $0x2FFFF;
	_ =	strace $0x9FFFFFFF  }
0xc3: {  	(tm) =	ssettm $0x7FFFFFFF  }
tec
execute0_lowered:
.L_overlay_start_1:
0x0: {  	(tag) =	ssettag $0x1  }
0x1: {  	s0 =	srdreg.scid;
	s2 =	rddreg [dreg:$0x0]  }
0x2: {  	s12 =	stileid.u32;
	s5 =	rddreg [dreg:$0x1]  }
0x3: {  	s3 =	rddreg [dreg:$0x2];
	s4 =	simm.s32 $0x0;
	s28 =	simm.s32 $0x8  }
0x4: {  	s29 =	simm.s32 $0x7;
	s30 =	simm.s32 $0x6;
	s7 =	smul.u32 $0x14000, s12  }
0x5: {  	s31 =	simm.s32 $0x1;
	s0 =	sand.u32 $0x1, s0;
	s9 =	smul.u32 $0x50000, s12  }
0x6: {  	s1 =	sshll.u32 s12, $0x1;
	[smem:$0x7FF] =	sst s4;
	s17 =	smul.u32 $0x4E20, s12  }
0x7: {  	s10 =	sadd.s32 $0xA00, s5;
	s1 =	sor.u32 s0, s1;
	s6 =	smul.u32 $0x140000, s0  }
0x8: {  	_ =	strace $0x80000047;
	s13 =	ssub.s32 $0x2, s0;
	s0 =	smul.u32 $0x2710, s0  }
0x9: {  	s1 =	smul.u32 $0x2710, s1;
	s14 =	sshrl.u32 s13, $0x1;
	s16 =	sshrl.u32 s9, $0x2  }
0xa: {  	s9 =	simm.s32 $0x9;
	s6 =	sadd.s32 s7, s6;
	s11 =	ssub.s32 s13, s14  }
0xb: {  	s7 =	sadd.s32 s16, s3;
	s0 =	sadd.s32 s0, s17;
	s1 =	sshrl.u32 s1, $0x3  }
0xc: {  	s6 =	sshrl.u32 s6, $0x3;
	s19 =	sadd.s32 $0x4000, s7;
	s20 =	sadd.s32 $0x8000, s7  }
0xd: {  	s21 =	sadd.s32 $0xC000, s7;
	s22 =	sadd.s32 $0x10000, s7;
	[dreg:$0x6] =	wrdreg s19  }
0xe: {  	s26 =	sadd.s32 $0x280, s0;
	s0 =	sadd.s32 $0x200, s0;
	[dreg:$0x7] =	wrdreg s20  }
0xf: {  	s17 =	smax.u32 s11, $0x1;
	s8 =	sadd.s32 s1, s5;
	[dreg:$0x8] =	wrdreg s21  }
0x10: {  	s5 =	sadd.s32 s6, s5;
	s6 =	sadd.s32 s10, s1;
	[dreg:$0x9] =	wrdreg s22  }
0x11: {  	s1 =	sshrl.u32 s26, $0x3;
	s0 =	sshrl.u32 s0, $0x3;
	s20 =	simm.s32 $0x14000  }
0x12: {  	s21 =	simm.s32 $0x16780;
	s22 =	simm.s32 $0x16800;
	s15 =	sadd.s32 $0xA800, s8  }
0x13: {  	s26 =	simm.s32 $0x1A880;
	s18 =	sadd.s32 $0x10, s6;
	[dreg:$0x4] =	wrdreg s15  }
0x14: {  	s23 =	sadd.s32 $0x20, s6;
	s24 =	sadd.s32 $0x30, s6;
	[dreg:$0x5] =	wrdreg s18  }
0x15: {  	s25 =	sadd.s32 $0x4E0, s6;
	s16 =	sadd.s32 $0x14600, s5;
	[dreg:$0xa] =	wrdreg s23  }
0x16: {  	s19 =	sadd.s32 s0, s10;
	s0 =	simm.s32 $0x2;
	[dreg:$0xb] =	wrdreg s24  }
0x17: {  	s5 =	simm.s32 $0x4;
	s8 =	simm.s32 $0x10;
	[dreg:$0xc] =	wrdreg s25  }
0x18: {  	s18 =	sadd.s32 s1, s10;
	s23 =	simm.s32 $0x5;
	s24 =	simm.s32 $0x80  }
0x19: {  	v0 =	vimm.f32 $0.0e+00;
	s25 =	simm.s32 $0x16880;
	s1 =	simm.s32 $0x3;
	s10 =	simm.s32 $0x0  }
.LBB2_1:
0x1a: {  	s11 =	rddreg [dreg:$0x4]  }
0x1b: {  	[tilespmem:s20], [sflag:$0x7] =	stream.linear.gather [hbm4b:s11+s4], $0x2710, $0x38;
	[tilespmem:$0x1E880] =	vst v63  }
0x1c: {  	_ = 	snop  }
0x1d: {  	[tilespmem:s21], [sflag:$0x5] =	stream.linear.gather [hbm4b:s6+s4], $0x80, $0x38;
	[tilespmem:$0x1E880] =	vst v63  }
0x1e: {  	s15 =	rddreg [dreg:$0x5];
	s12 =	simm.s32 $0x200;
	s11 =	simm.s32 $0x0  }
0x1f: {  	[tilespmem:s22], [sflag:$0x6] =	stream.linear.gather [hbm4b:s15+s4], $0x80, $0x38;
	[tilespmem:$0x1E880] =	vst v63  }
.LBB2_2:
0x20: {  	p0 =	sne.s32 s12, $0xFE00;
	[tilespmem:s11+$0x1A8F0] =	vst v0  }
0x21: {  	[tilespmem:s11+$0x1A880] =	vst v0  }
0x22: {  	[tilespmem:s11+$0x1A890] =	vst v0  }
.Ltmp0:
0x23: {  	[tilespmem:s11+$0x1A8A0] =	vst v0;
	(pc) =	sbr.rel @p0 .LBB2_2-.Ltmp0, $4  }
0x24: {  	[tilespmem:s11+$0x1A8B0] =	vst v0  }
0x25: {  	[tilespmem:s11+$0x1A8C0] =	vst v0  }
0x26: {  	[tilespmem:s11+$0x1A8D0] =	vst v0  }
0x27: {  	[tilespmem:s11+$0x1A8E0] =	vst v0;
	s11 =	sshra.s32 s12, $0x2;
	s12 =	sadd.s32 $0x200, s12  }
0x28: {  	[tilespmem:s11+$0x1A8F0] =	vst v0  }
0x29: {  	[tilespmem:s11+$0x1A880] =	vst v0  }
0x2a: {  	[tilespmem:s11+$0x1A890] =	vst v0  }
0x2b: {  	[tilespmem:s11+$0x1A8A0] =	vst v0  }
0x2c: {  	[tilespmem:s11+$0x1A8B0] =	vst v0  }
0x2d: {  	[tilespmem:s11+$0x1A8C0] =	vst v0  }
0x2e: {  	[tilespmem:s11+$0x1A8D0] =	vst v0  }
0x2f: {  	[tilespmem:s11+$0x1A8E0] =	vst v0  }
0x30: {  	_ =	swait.ge [sflag:s23], $0x80  }
0x31: {  	[sflag:s23] =	ssyncset.done $0x0  }
0x32: {  	[sflag:s23] =	ssyncadd.s32 $0xFFFFFF80  }
0x33: {  	[tilespmem:s25], [sflag:$0x1] =	stream.indirect.gather [hbm4b:s2+s24], $0x80, s21, s24, $0xb8;
	[tilespmem:$0x1E880] =	vst v63  }
0x34: {  	_ = 	snop  }
0x35: {  	[spmem:s7] =	stream.linear.scatter [tilespmem:s26], [sflag:$0x8], $0x4000, $0x38;
	[tilespmem:$0x1E880] =	vst v63  }
0x36: {  	s14 =	rddreg [dreg:$0x6]  }
0x37: {  	[spmem:s14] =	stream.linear.scatter [tilespmem:s26], [sflag:$0x8], $0x4000, $0x38;
	[tilespmem:$0x1E880] =	vst v63  }
0x38: {  	s15 =	rddreg [dreg:$0x7]  }
0x39: {  	[spmem:s15] =	stream.linear.scatter [tilespmem:s26], [sflag:$0x8], $0x4000, $0x38;
	[tilespmem:$0x1E880] =	vst v63  }
0x3a: {  	s12 =	rddreg [dreg:$0x8]  }
0x3b: {  	[spmem:s12] =	stream.linear.scatter [tilespmem:s26], [sflag:$0x8], $0x4000, $0x38;
	[tilespmem:$0x1E880] =	vst v63  }
0x3c: {  	s13 =	rddreg [dreg:$0x9]  }
0x3d: {  	[spmem:s13] =	stream.linear.scatter [tilespmem:s26], [sflag:$0x8], $0x4000, $0x38;
	[tilespmem:$0x1E880] =	vst v63  }
0x3e: {  	_ =	swait.ge [sflag:s28], $0x4000  }
0x3f: {  	[sflag:s28] =	ssyncset.done $0x0  }
0x40: {  	[sflag:s28] =	ssyncadd.s32 $0xFFFFC000  }
0x41: {  	_ =	swait.ge [sflag:s28], $0x4000  }
0x42: {  	[sflag:s28] =	ssyncset.done $0x0  }
0x43: {  	[sflag:s28] =	ssyncadd.s32 $0xFFFFC000  }
0x44: {  	_ =	swait.ge [sflag:s28], $0x4000  }
0x45: {  	[sflag:s28] =	ssyncset.done $0x0  }
0x46: {  	[sflag:s28] =	ssyncadd.s32 $0xFFFFC000  }
0x47: {  	_ =	swait.ge [sflag:s28], $0x4000  }
0x48: {  	[sflag:s28] =	ssyncset.done $0x0  }
0x49: {  	[sflag:s28] =	ssyncadd.s32 $0xFFFFC000  }
0x4a: {  	_ =	swait.ge [sflag:s28], $0x4000  }
0x4b: {  	[sflag:s28] =	ssyncset.done $0x0  }
0x4c: {  	[sflag:s28] =	ssyncadd.s32 $0xFFFFC000  }
0x4d: {  	_ =	swait.ge [sflag:s29], $0x2710  }
0x4e: {  	[sflag:s29] =	ssyncset.done $0x0  }
0x4f: {  	[sflag:s29] =	ssyncadd.s32 $0xFFFFD8F0  }
0x50: {  	[bflag:$0x0] =	sbarrier.arrive $0xFFFF  }
0x51: {  	_ =	swait.ge [sflag:s30], $0x80  }
0x52: {  	[sflag:s30] =	ssyncset.done $0x0  }
0x53: {  	[sflag:s30] =	ssyncadd.s32 $0xFFFFFF80  }
0x54: {  	[tilespmem:s26], [sflag:$0x2] =	stream.indirect.gather [hbm4b:s2+s24], $0x80, s22, s24, $0xb8;
	[tilespmem:$0x1E880] =	vst v63  }
0x55: {  	_ =	swait.ge [sflag:s31], $0x4000  }
0x56: {  	[sflag:s31] =	ssyncset.done $0x0  }
0x57: {  	s14 =	simm.s32 $0x0;
	s12 =	rddreg [dreg:$0xa];
	[sflag:s31] =	ssyncadd.s32 $0xFFFFC000  }
0x58: {  	[tilespmem:s21], [sflag:$0x5] =	stream.linear.gather [hbm4b:s12+s14], $0x80, $0x38;
	[tilespmem:$0x1E880] =	vst v63  }
0x59: {  	_ = 	snop  }
0x5a: {  	[spmem:s3] =	stream.indirect.scatter.add.f32 [tilespmem:s25], [sflag:$0x3], $0x80, s20, s24, $0xb8;
	[tilespmem:$0x1E880] =	vst v63  }
0x5b: {  	_ =	swait.ge [sflag:s1], $0x4000  }
0x5c: {  	[sflag:s1] =	ssyncset.done $0x0  }
0x5d: {  	[sflag:s1] =	ssyncadd.s32 $0xFFFFC000  }
0x5e: {  	_ =	swait.ge [sflag:s23], $0x80  }
0x5f: {  	[sflag:s23] =	ssyncset.done $0x0  }
0x60: {  	[sflag:s23] =	ssyncadd.s32 $0xFFFFFF80  }
0x61: {  	[tilespmem:s25], [sflag:$0x1] =	stream.indirect.gather [hbm4b:s2+s24], $0x80, s21, s24, $0xb8;
	[tilespmem:$0x1E880] =	vst v63  }
0x62: {  	_ =	swait.ge [sflag:s0], $0x4000  }
0x63: {  	[sflag:s0] =	ssyncset.done $0x0  }
0x64: {  	s15 =	rddreg [dreg:$0xb];
	[sflag:s0] =	ssyncadd.s32 $0xFFFFC000  }
0x65: {  	[tilespmem:s22], [sflag:$0x6] =	stream.linear.gather [hbm4b:s15+s14], $0x80, $0x38;
	[tilespmem:$0x1E880] =	vst v63  }
0x66: {  	s12 =	simm.s32 $0x14080  }
0x67: {  	[spmem:s3] =	stream.indirect.scatter.add.f32 [tilespmem:s26], [sflag:$0x4], $0x80, s12, s24, $0xb8;
	[tilespmem:$0x1E880] =	vst v63  }
0x68: {  	_ =	swait.ge [sflag:s5], $0x4000  }
0x69: {  	[sflag:s5] =	ssyncset.done $0x0  }
0x6a: {  	[sflag:s5] =	ssyncadd.s32 $0xFFFFC000  }
0x6b: {  	_ =	swait.ge [sflag:s30], $0x80  }
0x6c: {  	[sflag:s30] =	ssyncset.done $0x0  }
0x6d: {  	[sflag:s30] =	ssyncadd.s32 $0xFFFFFF80  }
0x6e: {  	[tilespmem:s26], [sflag:$0x2] =	stream.indirect.gather [hbm4b:s2+s24], $0x80, s22, s24, $0xb8;
	[tilespmem:$0x1E880] =	vst v63  }
0x6f: {  	_ =	swait.ge [sflag:s31], $0x4000  }
0x70: {  	[sflag:s31] =	ssyncset.done $0x0  }
0x71: {  	s13 =	sadd.s32 $0x0, s19;
	[sflag:s31] =	ssyncadd.s32 $0xFFFFC000  }
0x72: {  	[tilespmem:s21], [sflag:$0x5] =	stream.linear.gather [hbm4b:s13+s4], $0x80, $0x38;
	[tilespmem:$0x1E880] =	vst v63  }
0x73: {  	s14 =	simm.s32 $0x14100  }
0x74: {  	[spmem:s3] =	stream.indirect.scatter.add.f32 [tilespmem:s25], [sflag:$0x3], $0x80, s14, s24, $0xb8;
	[tilespmem:$0x1E880] =	vst v63  }
0x75: {  	_ =	swait.ge [sflag:s1], $0x4000  }
0x76: {  	[sflag:s1] =	ssyncset.done $0x0  }
0x77: {  	[sflag:s1] =	ssyncadd.s32 $0xFFFFC000  }
0x78: {  	_ =	swait.ge [sflag:s23], $0x80  }
0x79: {  	[sflag:s23] =	ssyncset.done $0x0  }
0x7a: {  	[sflag:s23] =	ssyncadd.s32 $0xFFFFFF80  }
0x7b: {  	[tilespmem:s25], [sflag:$0x1] =	stream.indirect.gather [hbm4b:s2+s24], $0x80, s21, s24, $0xb8;
	[tilespmem:$0x1E880] =	vst v63  }
0x7c: {  	_ =	swait.ge [sflag:s0], $0x4000  }
0x7d: {  	s11 =	simm.s32 $0x14180;
	s15 =	sadd.s32 $0x0, s18;
	[sflag:s0] =	ssyncset.done $0x0  }
0x7e: {  	s12 =	simm.s32 $0x20;
	s13 =	simm.s32 $0x14280;
	[sflag:s0] =	ssyncadd.s32 $0xFFFFC000  }
0x7f: {  	[tilespmem:s22], [sflag:$0x6] =	stream.linear.gather [hbm4b:s15+s4], $0x80, $0x38;
	[tilespmem:$0x1E880] =	vst v63  }
.LBB2_4:
0x80: {  	[spmem:s3] =	stream.indirect.scatter.add.f32 [tilespmem:s26], [sflag:$0x4], $0x80, s11, s24, $0xb8;
	[tilespmem:$0x1E880] =	vst v63  }
0x81: {  	s14 =	smov.u32 s12;
	s11 =	smov.u32 s13  }
0x82: {  	p0 =	sne.s32 s12, $0x480;
	s12 =	sadd.s32 $0x20, s12;
	_ =	swait.ge [sflag:s5], $0x4000  }
0x83: {  	[sflag:s5] =	ssyncset.done $0x0  }
0x84: {  	[sflag:s5] =	ssyncadd.s32 $0xFFFFC000  }
0x85: {  	_ =	swait.ge [sflag:s30], $0x80  }
0x86: {  	[sflag:s30] =	ssyncset.done $0x0  }
0x87: {  	[sflag:s30] =	ssyncadd.s32 $0xFFFFFF80  }
0x88: {  	[tilespmem:s26], [sflag:$0x2] =	stream.indirect.gather [hbm4b:s2+s24], $0x80, s22, s24, $0xb8;
	[tilespmem:$0x1E880] =	vst v63  }
0x89: {  	_ =	swait.ge [sflag:s31], $0x4000  }
0x8a: {  	[sflag:s31] =	ssyncset.done $0x0  }
0x8b: {  	s15 =	sadd.s32 s14, s19;
	[sflag:s31] =	ssyncadd.s32 $0xFFFFC000  }
0x8c: {  	[tilespmem:s21], [sflag:$0x5] =	stream.linear.gather [hbm4b:s15+s4], $0x80, $0x38;
	[tilespmem:$0x1E880] =	vst v63  }
0x8d: {  	s15 =	sadd.s32 $0xFFFFFF80, s13  }
0x8e: {  	[spmem:s3] =	stream.indirect.scatter.add.f32 [tilespmem:s25], [sflag:$0x3], $0x80, s15, s24, $0xb8;
	[tilespmem:$0x1E880] =	vst v63  }
0x8f: {  	_ =	swait.ge [sflag:s1], $0x4000  }
0x90: {  	[sflag:s1] =	ssyncset.done $0x0  }
0x91: {  	[sflag:s1] =	ssyncadd.s32 $0xFFFFC000  }
0x92: {  	_ =	swait.ge [sflag:s23], $0x80  }
0x93: {  	[sflag:s23] =	ssyncset.done $0x0  }
0x94: {  	[sflag:s23] =	ssyncadd.s32 $0xFFFFFF80  }
0x95: {  	[tilespmem:s25], [sflag:$0x1] =	stream.indirect.gather [hbm4b:s2+s24], $0x80, s21, s24, $0xb8;
	[tilespmem:$0x1E880] =	vst v63  }
.Ltmp1:
0x96: {  	_ =	swait.ge [sflag:s0], $0x4000;
	(pc) =	sbr.rel @p0 .LBB2_4-.Ltmp1, $4  }
0x97: {  	[sflag:s0] =	ssyncset.done $0x0  }
0x98: {  	s14 =	sadd.s32 s14, s18;
	[sflag:s0] =	ssyncadd.s32 $0xFFFFC000  }
0x99: {  	[tilespmem:s22], [sflag:$0x6] =	stream.linear.gather [hbm4b:s14+s4], $0x80, $0x38;
	[tilespmem:$0x1E880] =	vst v63  }
0x9a: {  	s13 =	sadd.s32 $0x100, s13  }
0x9b: {  	[spmem:s3] =	stream.indirect.scatter.add.f32 [tilespmem:s26], [sflag:$0x4], $0x80, s11, s24, $0xb8;
	[tilespmem:$0x1E880] =	vst v63  }
0x9c: {  	_ =	swait.ge [sflag:s5], $0x4000  }
0x9d: {  	[sflag:s5] =	ssyncset.done $0x0  }
0x9e: {  	[sflag:s5] =	ssyncadd.s32 $0xFFFFC000  }
0x9f: {  	_ =	swait.ge [sflag:s30], $0x80  }
0xa0: {  	[sflag:s30] =	ssyncset.done $0x0  }
0xa1: {  	[sflag:s30] =	ssyncadd.s32 $0xFFFFFF80  }
0xa2: {  	[tilespmem:s26], [sflag:$0x2] =	stream.indirect.gather [hbm4b:s2+s24], $0x80, s22, s24, $0xb8;
	[tilespmem:$0x1E880] =	vst v63  }
0xa3: {  	_ =	swait.ge [sflag:s31], $0x4000  }
0xa4: {  	[sflag:s31] =	ssyncset.done $0x0  }
0xa5: {  	s15 =	rddreg [dreg:$0xc];
	[sflag:s31] =	ssyncadd.s32 $0xFFFFC000  }
0xa6: {  	[tilespmem:s21], [sflag:$0x5] =	stream.linear.gather [hbm4b:s15+s4], $0x10, $0x38;
	[tilespmem:$0x1E880] =	vst v63  }
0xa7: {  	s12 =	simm.s32 $0x16600  }
0xa8: {  	[spmem:s3] =	stream.indirect.scatter.add.f32 [tilespmem:s25], [sflag:$0x3], $0x80, s12, s24, $0xb8;
	[tilespmem:$0x1E880] =	vst v63  }
0xa9: {  	_ =	swait.ge [sflag:s1], $0x4000  }
0xaa: {  	[sflag:s1] =	ssyncset.done $0x0  }
0xab: {  	[sflag:s1] =	ssyncadd.s32 $0xFFFFC000  }
0xac: {  	_ =	swait.ge [sflag:s23], $0x10  }
0xad: {  	[sflag:s23] =	ssyncset.done $0x0  }
0xae: {  	[sflag:s23] =	ssyncadd.s32 $0xFFFFFFF0  }
0xaf: {  	[tilespmem:s25], [sflag:$0x1] =	stream.indirect.gather [hbm4b:s2+s8], $0x80, s21, s8, $0xb8;
	[tilespmem:$0x1E880] =	vst v63  }
0xb0: {  	_ =	swait.ge [sflag:s0], $0x4000  }
0xb1: {  	[sflag:s0] =	ssyncset.done $0x0  }
0xb2: {  	s13 =	simm.s32 $0x16680;
	[sflag:s0] =	ssyncadd.s32 $0xFFFFC000  }
0xb3: {  	[spmem:s3] =	stream.indirect.scatter.add.f32 [tilespmem:s26], [sflag:$0x4], $0x80, s13, s24, $0xb8;
	[tilespmem:$0x1E880] =	vst v63  }
0xb4: {  	_ =	swait.ge [sflag:s31], $0x800  }
0xb5: {  	[sflag:s31] =	ssyncset.done $0x0  }
0xb6: {  	s14 =	simm.s32 $0x16700;
	[sflag:s31] =	ssyncadd.s32 $0xFFFFF800  }
0xb7: {  	[spmem:s3] =	stream.indirect.scatter.add.f32 [tilespmem:s25], [sflag:$0x3], $0x80, s14, s8, $0xb8;
	[tilespmem:$0x1E880] =	vst v63  }
0xb8: {  	_ =	swait.ge [sflag:s5], $0x4000  }
0xb9: {  	[sflag:s5] =	ssyncset.done $0x0  }
0xba: {  	[sflag:s5] =	ssyncadd.s32 $0xFFFFC000  }
0xbb: {  	s15 =	stileid.u32;
	_ =	swait.ge [sflag:s1], $0x800  }
0xbc: {  	s10 =	sadd.s32 $0x1, s10;
	s11 =	sshll.u32 s15, $0x6;
	[sflag:s1] =	ssyncset.done $0x0  }
0xbd: {  	p0 =	sne.s32 s10, s17;
	s11 =	sor.u32 $0x1C09, s11;
	[sflag:s1] =	ssyncadd.s32 $0xFFFFF800  }
.Ltmp2:
0xbe: {  	s12 =	sshrl.u32 s7, $0x3;
	[bflag:$0x0] =	sbarrier.arrive $0xFFFF;
	(pc) =	sbr.rel @p0 .LBB2_1-.Ltmp2, $4  }
0xbf: {  	[hbm:s16], [sflag:s11] =	dma.local [spmem:s12], $0x2800  }
0xc0: {  	_ =	swait.ge [sflag:s9], $0x2800  }
0xc1: {  	[sflag:s9] =	ssyncset.done $0x0  }
0xc2: {  	[sflag:s9] =	ssyncadd.s32 $0xFFFFD800  }
0xc3: {  	_ =	sfence.sel $0x180000  }
0xc4: {  	[bflag:$0x0] =	sbarrier.arrive $0xFFFF  }
0xc5: {  	_ =	strace $0x90000047  }
0xc6: {  	s0 =	stileid.u32;
	[bflag:$0x2] =	sbarrier.arrive $0xFFFF  }
0xc7: {  	p0 =	sne.s32 s0, $0x0;
	s0 =	rddreg [dreg:$0x3]  }
0xc8: {  	s0 =	sadd.s32 @!p0 $0x100000, s0  }
0xc9: {  	[sflag:s0] =	ssyncadd.tile.s32 @!p0 $0x1;
	_ =	shalt  }
.Lfunc_end2:
_tile_overlayer_lowered:
.L_overlay_start_2:
0xca: {  	(tag) =	ssettag $0x2  }
0xcb: {  	s0 =	rddreg [dreg:$0x0];
	s2 =	stileid.u32  }
0xcc: {  	s1 =	rddreg [dreg:$0x1];
	p0 =	sne.s32 s2, $0x0  }
0xcd: {  	s3 =	rddreg [dreg:$0x2];
	[bflag:$0x3] =	sbarrier.arrive $0xFFFF;
	s2 =	simm.s32 @!p0 $0x1C09  }
0xce: {  	[timem:s3], [sflag:s2] =	dma.local @!p0 [hbm:s0], s1  }
0xcf: {  	s0 =	simm.s32 @!p0 $0x9  }
0xd0: {  	_ =	swait.ge @!p0 [sflag:s0], s1  }
0xd1: {  	s1 =	ssub.s32 @!p0 $0x0, s1;
	[sflag:s0] =	ssyncset.done @!p0 $0x0  }
0xd2: {  	[sflag:s0] =	ssyncadd.s32 @!p0 s1  }
0xd3: {  	[bflag:$0x3] =	sbarrier.arrive $0xFFFF  }
0xd4: {  	_ =	shalt  }

</sc_bundles>
